<compile_context>
chip_gen: v7x
topology: tpu7x:2x2x1
jax: 0.10.2.dev20260603
libtpu: 0.0.44.dev20260713+nightly
codegen_flags: <defaults>
</compile_context>

<pallas_src>
import functools

import jax
import jax.numpy as jnp
from jax import lax
from jax.experimental import pallas as pl
from jax.experimental.pallas import tpu as pltpu
from jax.experimental.pallas import tpu_sc as plsc

B = 4
N = 131072
GX, GY, GZ = 176, 200, 5
G = GX * GY * GZ
C_OUT = 16

NC, NS = 2, 16
TRASH = G
ACC_PER_TILE = 11008
G_PAD = NS * ACC_PER_TILE
ROWLEN = 64
CHUNK_ROWS = 32
PCHUNKS = 4
ZBLK = CHUNK_ROWS * ROWLEN
RD_ITER = 6


def _sc_body(pts_hbm, m_hbm, acc, pts_v, vals_v, zbuf, idx_v):
    c = lax.axis_index("c")
    s = lax.axis_index("s")
    lane = jnp.arange(16, dtype=jnp.int32)
    comp0 = jnp.zeros((16,), jnp.int32)
    comp1 = comp0 + 1
    comp2 = comp0 + 2
    zeros_f = jnp.zeros((16,), jnp.float32)
    zbase = s * ACC_PER_TILE

    def zb_body(i, carry):
        n = i * 16 + lane
        plsc.store_scatter(zbuf, [n >> 3, n & 7], zeros_f)
        return carry
    lax.fori_loop(0, ROWLEN * 8 // 16, zb_body, 0)

    def fill_idx(base):
        for g in range(4):
            plsc.store_scatter(idx_v, [lane + g * 16], base + g * 16 + lane)

    def pass_body(lb, carry):
        b = 2 * c + lb

        def vf_body(i, carry2):
            n = i * 16 + lane
            comp = n & 7
            plsc.store_scatter(
                vals_v, [n >> 9, (n >> 3) & 63, comp],
                jnp.where(comp == 3, jnp.float32(1.0), jnp.float32(0.0)))
            return carry2
        lax.fori_loop(0, CHUNK_ROWS * ROWLEN * 8 // 16, vf_body, 0)

        def zi_body(z, carry2):
            fill_idx(zbase + z * ROWLEN)
            pltpu.sync_copy(zbuf, acc.at[idx_v])
            return carry2
        lax.fori_loop(0, ACC_PER_TILE // ROWLEN, zi_body, 0)
        plsc.subcore_barrier()

        base_row = b * (N // ROWLEN) + s * (PCHUNKS * CHUNK_ROWS)

        def chunk_body(t, carry2):
            pltpu.sync_copy(
                pts_hbm.at[pl.ds(base_row + t * CHUNK_ROWS, CHUNK_ROWS)], pts_v)
            def pt_body(j, carry3):
                row = pts_v.at[j]
                vrow = vals_v.at[j]
                for k in range(ROWLEN // 16):
                    rows = lane + k * 16
                    gx = plsc.load_gather(row, [rows, comp0])
                    gy = plsc.load_gather(row, [rows, comp1])
                    gz = plsc.load_gather(row, [rows, comp2])
                    qx = gx / jnp.float32(0.4)
                    qy = (gy - jnp.float32(-40.0)) / jnp.float32(0.4)
                    qz = (gz - jnp.float32(-3.0)) / jnp.float32(0.8)
                    ix = qx.astype(jnp.int32)
                    iy = qy.astype(jnp.int32)
                    iz = qz.astype(jnp.int32)
                    valid = ((qx >= 0.0) & (qx < jnp.float32(GX))
                             & (qy >= 0.0) & (qy < jnp.float32(GY))
                             & (qz >= 0.0) & (qz < jnp.float32(GZ)))
                    seg = ix + GX * iy + (GX * GY) * iz
                    seg = jnp.where(valid, seg, TRASH)
                    plsc.store_scatter(idx_v, [rows], seg)
                    plsc.store_scatter(vrow, [rows, comp0], gx)
                    plsc.store_scatter(vrow, [rows, comp1], gy)
                    plsc.store_scatter(vrow, [rows, comp2], gz)
                pltpu.sync_copy(vrow, acc.at[idx_v], add=True)
                return carry3
            lax.fori_loop(0, CHUNK_ROWS, pt_body, 0)
            return carry2
        lax.fori_loop(0, PCHUNKS, chunk_body, 0)
        plsc.subcore_barrier()

        def rd_body(z, carry2):
            local = jnp.minimum(z * ZBLK, ACC_PER_TILE - ZBLK)
            def rj_body(j, carry3):
                fill_idx(zbase + local + j * ROWLEN)
                pltpu.sync_copy(acc.at[idx_v], vals_v.at[j])
                return carry3
            lax.fori_loop(0, CHUNK_ROWS, rj_body, 0)
            out_row = (b * G_PAD + zbase + local) // ROWLEN
            pltpu.sync_copy(vals_v, m_hbm.at[pl.ds(out_row, CHUNK_ROWS)])
            return carry2
        lax.fori_loop(0, RD_ITER, rd_body, 0)
        plsc.subcore_barrier()
        return carry
    lax.fori_loop(0, B // NC, pass_body, 0)


@functools.lru_cache(maxsize=1)
def _sc_voxelize():
    return pl.kernel(
        _sc_body,
        out_type=jax.ShapeDtypeStruct((B * G_PAD // ROWLEN, ROWLEN, 8),
                                      jnp.float32),
        mesh=plsc.VectorSubcoreMesh(
            core_axis_name="c", subcore_axis_name="s",
            num_cores=NC, num_subcores=NS),
        compiler_params=pltpu.CompilerParams(
            use_tc_tiling_on_sc=False, needs_layout_passes=False),
        scratch_types=[
            pltpu.VMEM_SHARED((G_PAD, 8), jnp.float32),
            pltpu.VMEM((CHUNK_ROWS, ROWLEN, 4), jnp.float32),
            pltpu.VMEM((CHUNK_ROWS, ROWLEN, 8), jnp.float32),
            pltpu.VMEM((ROWLEN, 8), jnp.float32),
            pltpu.VMEM((ROWLEN,), jnp.int32),
        ],
    )


def _tc_body(m_ref, s_ref, t_ref, o_ref):
    m = m_ref[...]
    num = jnp.maximum(
        jnp.dot(m, s_ref[...], preferred_element_type=jnp.float32), 0.0)
    cnt = jnp.dot(m, t_ref[...], preferred_element_type=jnp.float32)
    o_ref[...] = num / jnp.maximum(cnt, 1.0)


_TC_ROWS = B * G // 8
_TC_BLK = 1000


def _tc_finalize(mv, smat, tmat):
    return pl.pallas_call(
        _tc_body,
        grid=(_TC_ROWS // _TC_BLK,),
        in_specs=[
            pl.BlockSpec((_TC_BLK, 64), lambda i: (i, 0)),
            pl.BlockSpec((64, 128), lambda i: (0, 0)),
            pl.BlockSpec((64, 128), lambda i: (0, 0)),
        ],
        out_specs=pl.BlockSpec((_TC_BLK, 128), lambda i: (i, 0)),
        out_shape=jax.ShapeDtypeStruct((_TC_ROWS, 128), jnp.float32),
    )(mv, smat, tmat)


def kernel(pseudo_points, W):
    pts = pseudo_points.reshape(B * N // ROWLEN, ROWLEN, 4)
    m_pad = _sc_voxelize()(pts).reshape(B * G_PAD, 8)
    m = jnp.concatenate([m_pad[b * G_PAD: b * G_PAD + G] for b in range(B)],
                        axis=0)
    eye8 = jnp.eye(8, dtype=jnp.float32)
    w8 = jnp.concatenate([W, jnp.zeros((5, C_OUT), jnp.float32)], axis=0)
    smat = jnp.kron(eye8, w8)
    t8 = jnp.concatenate(
        [jnp.zeros((3, C_OUT), jnp.float32), jnp.ones((1, C_OUT), jnp.float32),
         jnp.zeros((4, C_OUT), jnp.float32)], axis=0)
    tmat = jnp.kron(eye8, t8)
    out = _tc_finalize(m.reshape(_TC_ROWS, 64), smat, tmat)
    return out.reshape(B * G, C_OUT)

# --- scband reference (transcript-rebuilt; emitter-appended) ---
"""Pipeline reference for scband-sparse-refinement-5093831213146 (READ-ONLY COPY).

The authoritative reference and input builder live on the scoring server;
editing this copy changes nothing except your own understanding.
"""

import jax, jax.numpy as jnp
import numpy as np

VOXEL_SIZE = jnp.array([0.4, 0.4, 0.8], dtype=jnp.float32)
PCR_MIN = jnp.array([0.0, -40.0, -3.0], dtype=jnp.float32)
GX, GY, GZ = 176, 200, 5
G = GX * GY * GZ
C_OUT = 16


def setup_inputs(seed: int = 0) -> dict:
    key = jax.random.key(seed)
    k1, k2 = jax.random.split(key)
    u = jax.random.uniform(k1, (4, 131072, 4), dtype=jnp.float32)
    lo = jnp.array([0.0, -40.0, -3.0, 0.0], dtype=jnp.float32)
    hi = jnp.array([70.4, 40.0, 1.0, 1.0], dtype=jnp.float32)
    pseudo_points = lo + u * (hi - lo)
    W = jax.random.normal(k2, (3, C_OUT), dtype=jnp.float32) * 0.05
    return {"pseudo_points": pseudo_points, "W": W}


def reference(pseudo_points, W):
    B, N, _ = pseudo_points.shape
    xyz = pseudo_points[..., :3]
    # --- dynamic voxelization: assign each point to an integer voxel coordinate ---
    coors = jnp.floor((xyz - PCR_MIN) / VOXEL_SIZE).astype(jnp.int32)
    grid = jnp.array([GX, GY, GZ], dtype=jnp.int32)
    valid = jnp.all((coors >= 0) & (coors < grid), axis=-1)
    coors = jnp.clip(coors, 0, grid - 1)
    lin = coors[..., 0] + GX * (coors[..., 1] + GY * coors[..., 2])
    batch_ids = jnp.arange(B, dtype=jnp.int32)[:, None]
    seg = batch_ids * G + lin
    # out-of-range points go to a dump bucket that is sliced off afterwards
    seg = jnp.where(valid, seg, B * G)
    seg_flat = seg.reshape(B * N)
    feats_flat = xyz.reshape(B * N, 3)
    # --- HardSimpleVFE: mean of point features per voxel (segment reduce) ---
    sums = jax.ops.segment_sum(feats_flat, seg_flat, num_segments=B * G + 1)
    cnts = jax.ops.segment_sum(jnp.ones((B * N,), dtype=jnp.float32), seg_flat, num_segments=B * G + 1)
    voxel_mean = sums[: B * G] / jnp.maximum(cnts[: B * G], 1.0)[:, None]
    occupied = (cnts[: B * G] > 0.0).astype(jnp.float32)[:, None]
    # --- middle encoder (sparse conv stand-in): per-voxel linear + relu on dense grid;
    # empty voxels stay exactly zero, matching sparse-tensor semantics ---
    sparse_features = jax.nn.relu(voxel_mean @ W) * occupied
    return sparse_features

if __name__ == "__main__":
    import jax
    _d = setup_inputs()
    print(jax.jit(kernel)(*tuple(_d.values())))

</pallas_src>

<mosaic_0001>
#map = affine_map<(d0, d1) -> (0, 0, 0)>
module attributes {stable_mosaic.version = 14 : i64} {
  func.func @_sc_body(%arg0: i32, %arg1: i32, %arg2: memref<8192x64x4xf32, #tpu.memory_space<hbm>>, %arg3: memref<11008x64x8xf32, #tpu.memory_space<hbm>>, %arg4: memref<176128x8xf32, #tpu.memory_space<vmem_shared>>, %arg5: memref<32x64x4xf32, #tpu.memory_space<vmem>>, %arg6: memref<32x64x8xf32, #tpu.memory_space<vmem>>, %arg7: memref<64x8xf32, #tpu.memory_space<vmem>>, %arg8: memref<64xi32, #tpu.memory_space<vmem>>) attributes {dimension_semantics = [#tpu.dimension_semantics<core_parallel>, #tpu.dimension_semantics<subcore_parallel>], iteration_bounds = array<i64: 2, 16>, scalar_prefetch = 0 : i64, scratch_operands = 5 : i64, tpu.core_type = #tpu.core_type<sc_vector_subcore>, window_params = [{transform_indices = #map}, {transform_indices = #map}]} {
    %iota3A = tpu.iota {dimensions = array<i32: 0>} : vector<16xi32>
    %broadcast_in_dim3A = arith.constant 0 : i32
    %broadcast_in_dim3A_0 = vector.broadcast %broadcast_in_dim3A : i32 to vector<16xi32>
    %add3A = arith.constant 1 : i32
    %add3A_1 = vector.broadcast %add3A : i32 to vector<16xi32>
    %add3A_2 = arith.addi %broadcast_in_dim3A_0, %add3A_1 : vector<16xi32>
    %add3A_3 = arith.constant 2 : i32
    %add3A_4 = vector.broadcast %add3A_3 : i32 to vector<16xi32>
    %add3A_5 = arith.addi %broadcast_in_dim3A_0, %add3A_4 : vector<16xi32>
    %broadcast_in_dim3A_6 = arith.constant 0.000000e+00 : f32
    %broadcast_in_dim3A_7 = vector.broadcast %broadcast_in_dim3A_6 : f32 to vector<16xf32>
    %mul3A = arith.constant 11008 : i32
    %mul3A_8 = arith.muli %arg1, %mul3A : i32
    %scan3A = arith.constant 0 : i32
    %scan3A_9 = arith.constant 0 : i32
    %scan3A_10 = arith.constant 32 : i32
    %scan3A_11 = arith.addi %scan3A_9, %scan3A_10 : i32
    %scan3A_12 = arith.constant 1 : i32
    scf.for %scan3A_20 = %scan3A_9 to %scan3A_11 step %scan3A_12  : i32 {
      %mul3A_21 = arith.constant 16 : i32
      %mul3A_22 = arith.muli %scan3A_20, %mul3A_21 : i32
      %add3A_23 = vector.broadcast %mul3A_22 : i32 to vector<16xi32>
      %add3A_24 = arith.addi %add3A_23, %iota3A : vector<16xi32>
      %shift_right_arithmetic3A = arith.constant 3 : i32
      %shift_right_arithmetic3A_25 = vector.broadcast %shift_right_arithmetic3A : i32 to vector<16xi32>
      %shift_right_arithmetic3A_26 = arith.shrsi %add3A_24, %shift_right_arithmetic3A_25 : vector<16xi32>
      %and3A = arith.constant 7 : i32
      %and3A_27 = vector.broadcast %and3A : i32 to vector<16xi32>
      %and3A_28 = arith.andi %add3A_24, %and3A_27 : vector<16xi32>
      tpu.vector_store_idx %arg7[%shift_right_arithmetic3A_26, %and3A_28], %broadcast_in_dim3A_7 : memref<64x8xf32, #tpu.memory_space<vmem>>[vector<16xi32>, vector<16xi32>], vector<16xf32>,
    }
    %scan3A_13 = arith.constant 32 : i32
    %scan3A_14 = arith.constant 0 : i32
    %scan3A_15 = arith.constant 0 : i32
    %scan3A_16 = arith.constant 2 : i32
    %scan3A_17 = arith.addi %scan3A_15, %scan3A_16 : i32
    %scan3A_18 = arith.constant 1 : i32
    scf.for %scan3A_20 = %scan3A_15 to %scan3A_17 step %scan3A_18  : i32 {
      %mul3A_21 = arith.constant 2 : i32
      %mul3A_22 = arith.muli %mul3A_21, %arg0 : i32
      %add3A_23 = arith.addi %mul3A_22, %scan3A_20 : i32
      %scan3A_24 = arith.constant 0 : i32
      %scan3A_25 = arith.constant 0 : i32
      %scan3A_26 = arith.constant 1024 : i32
      %scan3A_27 = arith.addi %scan3A_25, %scan3A_26 : i32
      %scan3A_28 = arith.constant 1 : i32
      scf.for %scan3A_55 = %scan3A_25 to %scan3A_27 step %scan3A_28  : i32 {
        %mul3A_56 = arith.constant 16 : i32
        %mul3A_57 = arith.muli %scan3A_55, %mul3A_56 : i32
        %add3A_58 = vector.broadcast %mul3A_57 : i32 to vector<16xi32>
        %add3A_59 = arith.addi %add3A_58, %iota3A : vector<16xi32>
        %and3A = arith.constant 7 : i32
        %and3A_60 = vector.broadcast %and3A : i32 to vector<16xi32>
        %and3A_61 = arith.andi %add3A_59, %and3A_60 : vector<16xi32>
        %shift_right_arithmetic3A = arith.constant 9 : i32
        %shift_right_arithmetic3A_62 = vector.broadcast %shift_right_arithmetic3A : i32 to vector<16xi32>
        %shift_right_arithmetic3A_63 = arith.shrsi %add3A_59, %shift_right_arithmetic3A_62 : vector<16xi32>
        %shift_right_arithmetic3A_64 = arith.constant 3 : i32
        %shift_right_arithmetic3A_65 = vector.broadcast %shift_right_arithmetic3A_64 : i32 to vector<16xi32>
        %shift_right_arithmetic3A_66 = arith.shrsi %add3A_59, %shift_right_arithmetic3A_65 : vector<16xi32>
        %and3A_67 = arith.constant 63 : i32
        %and3A_68 = vector.broadcast %and3A_67 : i32 to vector<16xi32>
        %and3A_69 = arith.andi %shift_right_arithmetic3A_66, %and3A_68 : vector<16xi32>
        %eq3A = arith.constant 3 : i32
        %eq3A_70 = vector.broadcast %eq3A : i32 to vector<16xi32>
        %eq3A_71 = arith.cmpi eq, %and3A_61, %eq3A_70 : vector<16xi32>
        %jit3A = arith.constant 1.000000e+00 : f32
        %jit3A_72 = arith.constant 0.000000e+00 : f32
        %broadcast_in_dim3A_73 = vector.broadcast %jit3A : f32 to vector<16xf32>
        %broadcast_in_dim3A_74 = vector.broadcast %jit3A_72 : f32 to vector<16xf32>
        %select_n3A = arith.select %eq3A_71, %broadcast_in_dim3A_73, %broadcast_in_dim3A_74 : vector<16xi1>, vector<16xf32>
        tpu.vector_store_idx %arg6[%shift_right_arithmetic3A_63, %and3A_69, %and3A_61], %select_n3A : memref<32x64x8xf32, #tpu.memory_space<vmem>>[vector<16xi32>, vector<16xi32>, vector<16xi32>], vector<16xf32>,
      }
      %scan3A_29 = arith.constant 1024 : i32
      %scan3A_30 = arith.constant 0 : i32
      %scan3A_31 = arith.constant 0 : i32
      %scan3A_32 = arith.constant 172 : i32
      %scan3A_33 = arith.addi %scan3A_31, %scan3A_32 : i32
      %scan3A_34 = arith.constant 1 : i32
      scf.for %scan3A_55 = %scan3A_31 to %scan3A_33 step %scan3A_34  : i32 {
        %mul3A_56 = arith.constant 64 : i32
        %mul3A_57 = arith.muli %scan3A_55, %mul3A_56 : i32
        %add3A_58 = arith.addi %mul3A_8, %mul3A_57 : i32
        %add3A_59 = arith.constant 0 : i32
        %add3A_60 = vector.broadcast %add3A_59 : i32 to vector<16xi32>
        %add3A_61 = arith.addi %iota3A, %add3A_60 : vector<16xi32>
        %add3A_62 = arith.constant 0 : i32
        %add3A_63 = arith.addi %add3A_58, %add3A_62 : i32
        %add3A_64 = vector.broadcast %add3A_63 : i32 to vector<16xi32>
        %add3A_65 = arith.addi %add3A_64, %iota3A : vector<16xi32>
        tpu.vector_store_idx %arg8[%add3A_61], %add3A_65 : memref<64xi32, #tpu.memory_space<vmem>>[vector<16xi32>], vector<16xi32>,
        %add3A_66 = arith.constant 16 : i32
        %add3A_67 = vector.broadcast %add3A_66 : i32 to vector<16xi32>
        %add3A_68 = arith.addi %iota3A, %add3A_67 : vector<16xi32>
        %add3A_69 = arith.constant 16 : i32
        %add3A_70 = arith.addi %add3A_58, %add3A_69 : i32
        %add3A_71 = vector.broadcast %add3A_70 : i32 to vector<16xi32>
        %add3A_72 = arith.addi %add3A_71, %iota3A : vector<16xi32>
        tpu.vector_store_idx %arg8[%add3A_68], %add3A_72 : memref<64xi32, #tpu.memory_space<vmem>>[vector<16xi32>], vector<16xi32>,
        %add3A_73 = arith.constant 32 : i32
        %add3A_74 = vector.broadcast %add3A_73 : i32 to vector<16xi32>
        %add3A_75 = arith.addi %iota3A, %add3A_74 : vector<16xi32>
        %add3A_76 = arith.constant 32 : i32
        %add3A_77 = arith.addi %add3A_58, %add3A_76 : i32
        %add3A_78 = vector.broadcast %add3A_77 : i32 to vector<16xi32>
        %add3A_79 = arith.addi %add3A_78, %iota3A : vector<16xi32>
        tpu.vector_store_idx %arg8[%add3A_75], %add3A_79 : memref<64xi32, #tpu.memory_space<vmem>>[vector<16xi32>], vector<16xi32>,
        %add3A_80 = arith.constant 48 : i32
        %add3A_81 = vector.broadcast %add3A_80 : i32 to vector<16xi32>
        %add3A_82 = arith.addi %iota3A, %add3A_81 : vector<16xi32>
        %add3A_83 = arith.constant 48 : i32
        %add3A_84 = arith.addi %add3A_58, %add3A_83 : i32
        %add3A_85 = vector.broadcast %add3A_84 : i32 to vector<16xi32>
        %add3A_86 = arith.addi %add3A_85, %iota3A : vector<16xi32>
        tpu.vector_store_idx %arg8[%add3A_82], %add3A_86 : memref<64xi32, #tpu.memory_space<vmem>>[vector<16xi32>], vector<16xi32>,
        "tpu.region"() ({
          %run_scoped3A = tpu.sem_alloc : memref<!tpu.dma_semaphore, #tpu.memory_space<semaphore_mem>>
          %dma_start3A = arith.constant 0 : i32
          %dma_start3A_87 = arith.constant 0 : i32
          %dma_start3A_88 = tpu.memref_slice %arg4[%dma_start3A, %dma_start3A_87] : memref<176128x8xf32, #tpu.memory_space<vmem_shared>> -> memref<176128x8xf32, #tpu.memory_space<vmem_shared>>
          tpu.enqueue_indirect_dma source(%arg7 : memref<64x8xf32, #tpu.memory_space<vmem>>) target(%dma_start3A_88 : memref<176128x8xf32, #tpu.memory_space<vmem_shared>>) offsets(%arg8 : memref<64xi32, #tpu.memory_space<vmem>>) semaphore(%run_scoped3A : memref<!tpu.dma_semaphore, #tpu.memory_space<semaphore_mem>>)
          %dma_wait3A = arith.constant 0 : i32
          %dma_wait3A_89 = arith.constant 0 : i32
          %dma_wait3A_90 = tpu.memref_slice %arg4[%dma_wait3A, %dma_wait3A_89] : memref<176128x8xf32, #tpu.memory_space<vmem_shared>> -> memref<176128x8xf32, #tpu.memory_space<vmem_shared>>
          tpu.wait_indirect_dma semaphore(%run_scoped3A : memref<!tpu.dma_semaphore, #tpu.memory_space<semaphore_mem>>) src(%arg7 : memref<64x8xf32, #tpu.memory_space<vmem>>) dst(%dma_wait3A_90 : memref<176128x8xf32, #tpu.memory_space<vmem_shared>>)
          tpu.yield
        }) : () -> ()
      }
      %scan3A_35 = arith.constant 172 : i32
      %barrier3A = arith.constant 0 : index
      tpu.barrier barrier_id(%barrier3A)
      %mul3A_36 = arith.constant 2048 : i32
      %mul3A_37 = arith.muli %add3A_23, %mul3A_36 : i32
      %mul3A_38 = arith.constant 128 : i32
      %mul3A_39 = arith.muli %arg1, %mul3A_38 : i32
      %add3A_40 = arith.addi %mul3A_37, %mul3A_39 : i32
      %scan3A_41 = arith.constant 0 : i32
      %scan3A_42 = arith.constant 0 : i32
      %scan3A_43 = arith.constant 4 : i32
      %scan3A_44 = arith.addi %scan3A_42, %scan3A_43 : i32
      %scan3A_45 = arith.constant 1 : i32
      scf.for %scan3A_55 = %scan3A_42 to %scan3A_44 step %scan3A_45  : i32 {
        %mul3A_56 = arith.constant 32 : i32
        %mul3A_57 = arith.muli %scan3A_55, %mul3A_56 : i32
        %add3A_58 = arith.addi %add3A_40, %mul3A_57 : i32
        "tpu.region"() ({
          %run_scoped3A = tpu.sem_alloc : memref<!tpu.dma_semaphore, #tpu.memory_space<semaphore_mem>>
          %dma_start3A = arith.constant 0 : i32
          %dma_start3A_65 = arith.constant 0 : i32
          %dma_start3A_66 = tpu.memref_slice %arg2[%add3A_58, %dma_start3A, %dma_start3A_65] : memref<8192x64x4xf32, #tpu.memory_space<hbm>> -> memref<32x64x4xf32, #tpu.memory_space<hbm>>
          %dma_start3A_67 = arith.constant 0 : i32
          %dma_start3A_68 = arith.constant 0 : i32
          %dma_start3A_69 = tpu.memref_slice %arg2[%add3A_58, %dma_start3A_67, %dma_start3A_68] : memref<8192x64x4xf32, #tpu.memory_space<hbm>> -> memref<32x64x4xf32, #tpu.memory_space<hbm>>
          tpu.enqueue_dma source(%dma_start3A_69 : memref<32x64x4xf32, #tpu.memory_space<hbm>>) target(%arg5 : memref<32x64x4xf32, #tpu.memory_space<vmem>>) target_semaphore(%run_scoped3A : memref<!tpu.dma_semaphore, #tpu.memory_space<semaphore_mem>>)
          %dma_wait3A = arith.constant 0 : i32
          %dma_wait3A_70 = arith.constant 0 : i32
          %dma_wait3A_71 = tpu.memref_slice %arg2[%add3A_58, %dma_wait3A, %dma_wait3A_70] : memref<8192x64x4xf32, #tpu.memory_space<hbm>> -> memref<32x64x4xf32, #tpu.memory_space<hbm>>
          %dma_wait3A_72 = arith.constant 0 : i32
          %dma_wait3A_73 = arith.constant 0 : i32
          %dma_wait3A_74 = tpu.memref_slice %arg2[%add3A_58, %dma_wait3A_72, %dma_wait3A_73] : memref<8192x64x4xf32, #tpu.memory_space<hbm>> -> memref<32x64x4xf32, #tpu.memory_space<hbm>>
          tpu.wait_dma2 semaphore(%run_scoped3A : memref<!tpu.dma_semaphore, #tpu.memory_space<semaphore_mem>>) src(%dma_wait3A_74 : memref<32x64x4xf32, #tpu.memory_space<hbm>>) dst(%arg5 : memref<32x64x4xf32, #tpu.memory_space<vmem>>)
          tpu.yield
        }) : () -> ()
        %scan3A_59 = arith.constant 0 : i32
        %scan3A_60 = arith.constant 0 : i32
        %scan3A_61 = arith.constant 32 : i32
        %scan3A_62 = arith.addi %scan3A_60, %scan3A_61 : i32
        %scan3A_63 = arith.constant 1 : i32
        scf.for %scan3A_65 = %scan3A_60 to %scan3A_62 step %scan3A_63  : i32 {
          %add3A_66 = arith.constant 0 : i32
          %add3A_67 = vector.broadcast %add3A_66 : i32 to vector<16xi32>
          %add3A_68 = arith.addi %iota3A, %add3A_67 : vector<16xi32>
          %gather3A = arith.constant 0 : i32
          %gather3A_69 = arith.constant 0 : i32
          %gather3A_70 = tpu.memref_slice %arg5[%scan3A_65, %gather3A, %gather3A_69] : memref<32x64x4xf32, #tpu.memory_space<vmem>> -> memref<1x64x4xf32, #tpu.memory_space<vmem>>
          %gather3A_71 = tpu.memref_squeeze %gather3A_70 : memref<1x64x4xf32, #tpu.memory_space<vmem>> -> memref<64x4xf32, #tpu.memory_space<vmem>>
          %gather3A_72 = tpu.vector_load_idx %gather3A_71[%add3A_68, %broadcast_in_dim3A_0] : memref<64x4xf32, #tpu.memory_space<vmem>>[vector<16xi32>, vector<16xi32>], vector<16xf32>,
          %gather3A_73 = arith.constant 0 : i32
          %gather3A_74 = arith.constant 0 : i32
          %gather3A_75 = tpu.memref_slice %arg5[%scan3A_65, %gather3A_73, %gather3A_74] : memref<32x64x4xf32, #tpu.memory_space<vmem>> -> memref<1x64x4xf32, #tpu.memory_space<vmem>>
          %gather3A_76 = tpu.memref_squeeze %gather3A_75 : memref<1x64x4xf32, #tpu.memory_space<vmem>> -> memref<64x4xf32, #tpu.memory_space<vmem>>
          %gather3A_77 = tpu.vector_load_idx %gather3A_76[%add3A_68, %add3A_2] : memref<64x4xf32, #tpu.memory_space<vmem>>[vector<16xi32>, vector<16xi32>], vector<16xf32>,
          %gather3A_78 = arith.constant 0 : i32
          %gather3A_79 = arith.constant 0 : i32
          %gather3A_80 = tpu.memref_slice %arg5[%scan3A_65, %gather3A_78, %gather3A_79] : memref<32x64x4xf32, #tpu.memory_space<vmem>> -> memref<1x64x4xf32, #tpu.memory_space<vmem>>
          %gather3A_81 = tpu.memref_squeeze %gather3A_80 : memref<1x64x4xf32, #tpu.memory_space<vmem>> -> memref<64x4xf32, #tpu.memory_space<vmem>>
          %gather3A_82 = tpu.vector_load_idx %gather3A_81[%add3A_68, %add3A_5] : memref<64x4xf32, #tpu.memory_space<vmem>>[vector<16xi32>, vector<16xi32>], vector<16xf32>,
          %div3A = arith.constant 4.000000e-01 : f32
          %div3A_83 = vector.broadcast %div3A : f32 to vector<16xf32>
          %div3A_84 = arith.divf %gather3A_72, %div3A_83 : vector<16xf32>
          %sub3A = arith.constant -4.000000e+01 : f32
          %sub3A_85 = vector.broadcast %sub3A : f32 to vector<16xf32>
          %sub3A_86 = arith.subf %gather3A_77, %sub3A_85 : vector<16xf32>
          %div3A_87 = arith.constant 4.000000e-01 : f32
          %div3A_88 = vector.broadcast %div3A_87 : f32 to vector<16xf32>
          %div3A_89 = arith.divf %sub3A_86, %div3A_88 : vector<16xf32>
          %sub3A_90 = arith.constant -3.000000e+00 : f32
          %sub3A_91 = vector.broadcast %sub3A_90 : f32 to vector<16xf32>
          %sub3A_92 = arith.subf %gather3A_82, %sub3A_91 : vector<16xf32>
          %div3A_93 = arith.constant 8.000000e-01 : f32
          %div3A_94 = vector.broadcast %div3A_93 : f32 to vector<16xf32>
          %div3A_95 = arith.divf %sub3A_92, %div3A_94 : vector<16xf32>
          %convert_element_type3A = arith.fptosi %div3A_84 : vector<16xf32> to vector<16xi32>
          %convert_element_type3A_96 = arith.fptosi %div3A_89 : vector<16xf32> to vector<16xi32>
          %convert_element_type3A_97 = arith.fptosi %div3A_95 : vector<16xf32> to vector<16xi32>
          %ge3A = arith.constant 0.000000e+00 : f32
          %ge3A_98 = vector.broadcast %ge3A : f32 to vector<16xf32>
          %ge3A_99 = arith.cmpf oge, %div3A_84, %ge3A_98 : vector<16xf32>
          %lt3A = arith.constant 1.760000e+02 : f32
          %lt3A_100 = vector.broadcast %lt3A : f32 to vector<16xf32>
          %lt3A_101 = arith.cmpf olt, %div3A_84, %lt3A_100 : vector<16xf32>
          %and3A = arith.andi %ge3A_99, %lt3A_101 : vector<16xi1>
          %ge3A_102 = arith.constant 0.000000e+00 : f32
          %ge3A_103 = vector.broadcast %ge3A_102 : f32 to vector<16xf32>
          %ge3A_104 = arith.cmpf oge, %div3A_89, %ge3A_103 : vector<16xf32>
          %and3A_105 = arith.andi %and3A, %ge3A_104 : vector<16xi1>
          %lt3A_106 = arith.constant 2.000000e+02 : f32
          %lt3A_107 = vector.broadcast %lt3A_106 : f32 to vector<16xf32>
          %lt3A_108 = arith.cmpf olt, %div3A_89, %lt3A_107 : vector<16xf32>
          %and3A_109 = arith.andi %and3A_105, %lt3A_108 : vector<16xi1>
          %ge3A_110 = arith.constant 0.000000e+00 : f32
          %ge3A_111 = vector.broadcast %ge3A_110 : f32 to vector<16xf32>
          %ge3A_112 = arith.cmpf oge, %div3A_95, %ge3A_111 : vector<16xf32>
          %and3A_113 = arith.andi %and3A_109, %ge3A_112 : vector<16xi1>
          %lt3A_114 = arith.constant 5.000000e+00 : f32
          %lt3A_115 = vector.broadcast %lt3A_114 : f32 to vector<16xf32>
          %lt3A_116 = arith.cmpf olt, %div3A_95, %lt3A_115 : vector<16xf32>
          %and3A_117 = arith.andi %and3A_113, %lt3A_116 : vector<16xi1>
          %mul3A_118 = arith.constant 176 : i32
          %mul3A_119 = vector.broadcast %mul3A_118 : i32 to vector<16xi32>
          %mul3A_120 = arith.muli %mul3A_119, %convert_element_type3A_96 : vector<16xi32>
          %add3A_121 = arith.addi %convert_element_type3A, %mul3A_120 : vector<16xi32>
          %mul3A_122 = arith.constant 35200 : i32
          %mul3A_123 = vector.broadcast %mul3A_122 : i32 to vector<16xi32>
          %mul3A_124 = arith.muli %mul3A_123, %convert_element_type3A_97 : vector<16xi32>
          %add3A_125 = arith.addi %add3A_121, %mul3A_124 : vector<16xi32>
          %jit3A = arith.constant 176000 : i32
          %broadcast_in_dim3A_126 = vector.broadcast %jit3A : i32 to vector<16xi32>
          %select_n3A = arith.select %and3A_117, %add3A_125, %broadcast_in_dim3A_126 : vector<16xi1>, vector<16xi32>
          tpu.vector_store_idx %arg8[%add3A_68], %select_n3A : memref<64xi32, #tpu.memory_space<vmem>>[vector<16xi32>], vector<16xi32>,
          %scatter3A = arith.constant 0 : i32
          %scatter3A_127 = arith.constant 0 : i32
          %scatter3A_128 = tpu.memref_slice %arg6[%scan3A_65, %scatter3A, %scatter3A_127] : memref<32x64x8xf32, #tpu.memory_space<vmem>> -> memref<1x64x8xf32, #tpu.memory_space<vmem>>
          %scatter3A_129 = tpu.memref_squeeze %scatter3A_128 : memref<1x64x8xf32, #tpu.memory_space<vmem>> -> memref<64x8xf32, #tpu.memory_space<vmem>>
          tpu.vector_store_idx %scatter3A_129[%add3A_68, %broadcast_in_dim3A_0], %gather3A_72 : memref<64x8xf32, #tpu.memory_space<vmem>>[vector<16xi32>, vector<16xi32>], vector<16xf32>,
          %scatter3A_130 = arith.constant 0 : i32
          %scatter3A_131 = arith.constant 0 : i32
          %scatter3A_132 = tpu.memref_slice %arg6[%scan3A_65, %scatter3A_130, %scatter3A_131] : memref<32x64x8xf32, #tpu.memory_space<vmem>> -> memref<1x64x8xf32, #tpu.memory_space<vmem>>
          %scatter3A_133 = tpu.memref_squeeze %scatter3A_132 : memref<1x64x8xf32, #tpu.memory_space<vmem>> -> memref<64x8xf32, #tpu.memory_space<vmem>>
          tpu.vector_store_idx %scatter3A_133[%add3A_68, %add3A_2], %gather3A_77 : memref<64x8xf32, #tpu.memory_space<vmem>>[vector<16xi32>, vector<16xi32>], vector<16xf32>,
          %scatter3A_134 = arith.constant 0 : i32
          %scatter3A_135 = arith.constant 0 : i32
          %scatter3A_136 = tpu.memref_slice %arg6[%scan3A_65, %scatter3A_134, %scatter3A_135] : memref<32x64x8xf32, #tpu.memory_space<vmem>> -> memref<1x64x8xf32, #tpu.memory_space<vmem>>
          %scatter3A_137 = tpu.memref_squeeze %scatter3A_136 : memref<1x64x8xf32, #tpu.memory_space<vmem>> -> memref<64x8xf32, #tpu.memory_space<vmem>>
          tpu.vector_store_idx %scatter3A_137[%add3A_68, %add3A_5], %gather3A_82 : memref<64x8xf32, #tpu.memory_space<vmem>>[vector<16xi32>, vector<16xi32>], vector<16xf32>,
          %add3A_138 = arith.constant 16 : i32
          %add3A_139 = vector.broadcast %add3A_138 : i32 to vector<16xi32>
          %add3A_140 = arith.addi %iota3A, %add3A_139 : vector<16xi32>
          %gather3A_141 = arith.constant 0 : i32
          %gather3A_142 = arith.constant 0 : i32
          %gather3A_143 = tpu.memref_slice %arg5[%scan3A_65, %gather3A_141, %gather3A_142] : memref<32x64x4xf32, #tpu.memory_space<vmem>> -> memref<1x64x4xf32, #tpu.memory_space<vmem>>
          %gather3A_144 = tpu.memref_squeeze %gather3A_143 : memref<1x64x4xf32, #tpu.memory_space<vmem>> -> memref<64x4xf32, #tpu.memory_space<vmem>>
          %gather3A_145 = tpu.vector_load_idx %gather3A_144[%add3A_140, %broadcast_in_dim3A_0] : memref<64x4xf32, #tpu.memory_space<vmem>>[vector<16xi32>, vector<16xi32>], vector<16xf32>,
          %gather3A_146 = arith.constant 0 : i32
          %gather3A_147 = arith.constant 0 : i32
          %gather3A_148 = tpu.memref_slice %arg5[%scan3A_65, %gather3A_146, %gather3A_147] : memref<32x64x4xf32, #tpu.memory_space<vmem>> -> memref<1x64x4xf32, #tpu.memory_space<vmem>>
          %gather3A_149 = tpu.memref_squeeze %gather3A_148 : memref<1x64x4xf32, #tpu.memory_space<vmem>> -> memref<64x4xf32, #tpu.memory_space<vmem>>
          %gather3A_150 = tpu.vector_load_idx %gather3A_149[%add3A_140, %add3A_2] : memref<64x4xf32, #tpu.memory_space<vmem>>[vector<16xi32>, vector<16xi32>], vector<16xf32>,
          %gather3A_151 = arith.constant 0 : i32
          %gather3A_152 = arith.constant 0 : i32
          %gather3A_153 = tpu.memref_slice %arg5[%scan3A_65, %gather3A_151, %gather3A_152] : memref<32x64x4xf32, #tpu.memory_space<vmem>> -> memref<1x64x4xf32, #tpu.memory_space<vmem>>
          %gather3A_154 = tpu.memref_squeeze %gather3A_153 : memref<1x64x4xf32, #tpu.memory_space<vmem>> -> memref<64x4xf32, #tpu.memory_space<vmem>>
          %gather3A_155 = tpu.vector_load_idx %gather3A_154[%add3A_140, %add3A_5] : memref<64x4xf32, #tpu.memory_space<vmem>>[vector<16xi32>, vector<16xi32>], vector<16xf32>,
          %div3A_156 = arith.constant 4.000000e-01 : f32
          %div3A_157 = vector.broadcast %div3A_156 : f32 to vector<16xf32>
          %div3A_158 = arith.divf %gather3A_145, %div3A_157 : vector<16xf32>
          %sub3A_159 = arith.constant -4.000000e+01 : f32
          %sub3A_160 = vector.broadcast %sub3A_159 : f32 to vector<16xf32>
          %sub3A_161 = arith.subf %gather3A_150, %sub3A_160 : vector<16xf32>
          %div3A_162 = arith.constant 4.000000e-01 : f32
          %div3A_163 = vector.broadcast %div3A_162 : f32 to vector<16xf32>
          %div3A_164 = arith.divf %sub3A_161, %div3A_163 : vector<16xf32>
          %sub3A_165 = arith.constant -3.000000e+00 : f32
          %sub3A_166 = vector.broadcast %sub3A_165 : f32 to vector<16xf32>
          %sub3A_167 = arith.subf %gather3A_155, %sub3A_166 : vector<16xf32>
          %div3A_168 = arith.constant 8.000000e-01 : f32
          %div3A_169 = vector.broadcast %div3A_168 : f32 to vector<16xf32>
          %div3A_170 = arith.divf %sub3A_167, %div3A_169 : vector<16xf32>
          %convert_element_type3A_171 = arith.fptosi %div3A_158 : vector<16xf32> to vector<16xi32>
          %convert_element_type3A_172 = arith.fptosi %div3A_164 : vector<16xf32> to vector<16xi32>
          %convert_element_type3A_173 = arith.fptosi %div3A_170 : vector<16xf32> to vector<16xi32>
          %ge3A_174 = arith.constant 0.000000e+00 : f32
          %ge3A_175 = vector.broadcast %ge3A_174 : f32 to vector<16xf32>
          %ge3A_176 = arith.cmpf oge, %div3A_158, %ge3A_175 : vector<16xf32>
          %lt3A_177 = arith.constant 1.760000e+02 : f32
          %lt3A_178 = vector.broadcast %lt3A_177 : f32 to vector<16xf32>
          %lt3A_179 = arith.cmpf olt, %div3A_158, %lt3A_178 : vector<16xf32>
          %and3A_180 = arith.andi %ge3A_176, %lt3A_179 : vector<16xi1>
          %ge3A_181 = arith.constant 0.000000e+00 : f32
          %ge3A_182 = vector.broadcast %ge3A_181 : f32 to vector<16xf32>
          %ge3A_183 = arith.cmpf oge, %div3A_164, %ge3A_182 : vector<16xf32>
          %and3A_184 = arith.andi %and3A_180, %ge3A_183 : vector<16xi1>
          %lt3A_185 = arith.constant 2.000000e+02 : f32
          %lt3A_186 = vector.broadcast %lt3A_185 : f32 to vector<16xf32>
          %lt3A_187 = arith.cmpf olt, %div3A_164, %lt3A_186 : vector<16xf32>
          %and3A_188 = arith.andi %and3A_184, %lt3A_187 : vector<16xi1>
          %ge3A_189 = arith.constant 0.000000e+00 : f32
          %ge3A_190 = vector.broadcast %ge3A_189 : f32 to vector<16xf32>
          %ge3A_191 = arith.cmpf oge, %div3A_170, %ge3A_190 : vector<16xf32>
          %and3A_192 = arith.andi %and3A_188, %ge3A_191 : vector<16xi1>
          %lt3A_193 = arith.constant 5.000000e+00 : f32
          %lt3A_194 = vector.broadcast %lt3A_193 : f32 to vector<16xf32>
          %lt3A_195 = arith.cmpf olt, %div3A_170, %lt3A_194 : vector<16xf32>
          %and3A_196 = arith.andi %and3A_192, %lt3A_195 : vector<16xi1>
          %mul3A_197 = arith.constant 176 : i32
          %mul3A_198 = vector.broadcast %mul3A_197 : i32 to vector<16xi32>
          %mul3A_199 = arith.muli %mul3A_198, %convert_element_type3A_172 : vector<16xi32>
          %add3A_200 = arith.addi %convert_element_type3A_171, %mul3A_199 : vector<16xi32>
          %mul3A_201 = arith.constant 35200 : i32
          %mul3A_202 = vector.broadcast %mul3A_201 : i32 to vector<16xi32>
          %mul3A_203 = arith.muli %mul3A_202, %convert_element_type3A_173 : vector<16xi32>
          %add3A_204 = arith.addi %add3A_200, %mul3A_203 : vector<16xi32>
          %jit3A_205 = arith.constant 176000 : i32
          %broadcast_in_dim3A_206 = vector.broadcast %jit3A_205 : i32 to vector<16xi32>
          %select_n3A_207 = arith.select %and3A_196, %add3A_204, %broadcast_in_dim3A_206 : vector<16xi1>, vector<16xi32>
          tpu.vector_store_idx %arg8[%add3A_140], %select_n3A_207 : memref<64xi32, #tpu.memory_space<vmem>>[vector<16xi32>], vector<16xi32>,
          %scatter3A_208 = arith.constant 0 : i32
          %scatter3A_209 = arith.constant 0 : i32
          %scatter3A_210 = tpu.memref_slice %arg6[%scan3A_65, %scatter3A_208, %scatter3A_209] : memref<32x64x8xf32, #tpu.memory_space<vmem>> -> memref<1x64x8xf32, #tpu.memory_space<vmem>>
          %scatter3A_211 = tpu.memref_squeeze %scatter3A_210 : memref<1x64x8xf32, #tpu.memory_space<vmem>> -> memref<64x8xf32, #tpu.memory_space<vmem>>
          tpu.vector_store_idx %scatter3A_211[%add3A_140, %broadcast_in_dim3A_0], %gather3A_145 : memref<64x8xf32, #tpu.memory_space<vmem>>[vector<16xi32>, vector<16xi32>], vector<16xf32>,
          %scatter3A_212 = arith.constant 0 : i32
          %scatter3A_213 = arith.constant 0 : i32
          %scatter3A_214 = tpu.memref_slice %arg6[%scan3A_65, %scatter3A_212, %scatter3A_213] : memref<32x64x8xf32, #tpu.memory_space<vmem>> -> memref<1x64x8xf32, #tpu.memory_space<vmem>>
          %scatter3A_215 = tpu.memref_squeeze %scatter3A_214 : memref<1x64x8xf32, #tpu.memory_space<vmem>> -> memref<64x8xf32, #tpu.memory_space<vmem>>
          tpu.vector_store_idx %scatter3A_215[%add3A_140, %add3A_2], %gather3A_150 : memref<64x8xf32, #tpu.memory_space<vmem>>[vector<16xi32>, vector<16xi32>], vector<16xf32>,
          %scatter3A_216 = arith.constant 0 : i32
          %scatter3A_217 = arith.constant 0 : i32
          %scatter3A_218 = tpu.memref_slice %arg6[%scan3A_65, %scatter3A_216, %scatter3A_217] : memref<32x64x8xf32, #tpu.memory_space<vmem>> -> memref<1x64x8xf32, #tpu.memory_space<vmem>>
          %scatter3A_219 = tpu.memref_squeeze %scatter3A_218 : memref<1x64x8xf32, #tpu.memory_space<vmem>> -> memref<64x8xf32, #tpu.memory_space<vmem>>
          tpu.vector_store_idx %scatter3A_219[%add3A_140, %add3A_5], %gather3A_155 : memref<64x8xf32, #tpu.memory_space<vmem>>[vector<16xi32>, vector<16xi32>], vector<16xf32>,
          %add3A_220 = arith.constant 32 : i32
          %add3A_221 = vector.broadcast %add3A_220 : i32 to vector<16xi32>
          %add3A_222 = arith.addi %iota3A, %add3A_221 : vector<16xi32>
          %gather3A_223 = arith.constant 0 : i32
          %gather3A_224 = arith.constant 0 : i32
          %gather3A_225 = tpu.memref_slice %arg5[%scan3A_65, %gather3A_223, %gather3A_224] : memref<32x64x4xf32, #tpu.memory_space<vmem>> -> memref<1x64x4xf32, #tpu.memory_space<vmem>>
          %gather3A_226 = tpu.memref_squeeze %gather3A_225 : memref<1x64x4xf32, #tpu.memory_space<vmem>> -> memref<64x4xf32, #tpu.memory_space<vmem>>
          %gather3A_227 = tpu.vector_load_idx %gather3A_226[%add3A_222, %broadcast_in_dim3A_0] : memref<64x4xf32, #tpu.memory_space<vmem>>[vector<16xi32>, vector<16xi32>], vector<16xf32>,
          %gather3A_228 = arith.constant 0 : i32
          %gather3A_229 = arith.constant 0 : i32
          %gather3A_230 = tpu.memref_slice %arg5[%scan3A_65, %gather3A_228, %gather3A_229] : memref<32x64x4xf32, #tpu.memory_space<vmem>> -> memref<1x64x4xf32, #tpu.memory_space<vmem>>
          %gather3A_231 = tpu.memref_squeeze %gather3A_230 : memref<1x64x4xf32, #tpu.memory_space<vmem>> -> memref<64x4xf32, #tpu.memory_space<vmem>>
          %gather3A_232 = tpu.vector_load_idx %gather3A_231[%add3A_222, %add3A_2] : memref<64x4xf32, #tpu.memory_space<vmem>>[vector<16xi32>, vector<16xi32>], vector<16xf32>,
          %gather3A_233 = arith.constant 0 : i32
          %gather3A_234 = arith.constant 0 : i32
          %gather3A_235 = tpu.memref_slice %arg5[%scan3A_65, %gather3A_233, %gather3A_234] : memref<32x64x4xf32, #tpu.memory_space<vmem>> -> memref<1x64x4xf32, #tpu.memory_space<vmem>>
          %gather3A_236 = tpu.memref_squeeze %gather3A_235 : memref<1x64x4xf32, #tpu.memory_space<vmem>> -> memref<64x4xf32, #tpu.memory_space<vmem>>
          %gather3A_237 = tpu.vector_load_idx %gather3A_236[%add3A_222, %add3A_5] : memref<64x4xf32, #tpu.memory_space<vmem>>[vector<16xi32>, vector<16xi32>], vector<16xf32>,
          %div3A_238 = arith.constant 4.000000e-01 : f32
          %div3A_239 = vector.broadcast %div3A_238 : f32 to vector<16xf32>
          %div3A_240 = arith.divf %gather3A_227, %div3A_239 : vector<16xf32>
          %sub3A_241 = arith.constant -4.000000e+01 : f32
          %sub3A_242 = vector.broadcast %sub3A_241 : f32 to vector<16xf32>
          %sub3A_243 = arith.subf %gather3A_232, %sub3A_242 : vector<16xf32>
          %div3A_244 = arith.constant 4.000000e-01 : f32
          %div3A_245 = vector.broadcast %div3A_244 : f32 to vector<16xf32>
          %div3A_246 = arith.divf %sub3A_243, %div3A_245 : vector<16xf32>
          %sub3A_247 = arith.constant -3.000000e+00 : f32
          %sub3A_248 = vector.broadcast %sub3A_247 : f32 to vector<16xf32>
          %sub3A_249 = arith.subf %gather3A_237, %sub3A_248 : vector<16xf32>
          %div3A_250 = arith.constant 8.000000e-01 : f32
          %div3A_251 = vector.broadcast %div3A_250 : f32 to vector<16xf32>
          %div3A_252 = arith.divf %sub3A_249, %div3A_251 : vector<16xf32>
          %convert_element_type3A_253 = arith.fptosi %div3A_240 : vector<16xf32> to vector<16xi32>
          %convert_element_type3A_254 = arith.fptosi %div3A_246 : vector<16xf32> to vector<16xi32>
          %convert_element_type3A_255 = arith.fptosi %div3A_252 : vector<16xf32> to vector<16xi32>
          %ge3A_256 = arith.constant 0.000000e+00 : f32
          %ge3A_257 = vector.broadcast %ge3A_256 : f32 to vector<16xf32>
          %ge3A_258 = arith.cmpf oge, %div3A_240, %ge3A_257 : vector<16xf32>
          %lt3A_259 = arith.constant 1.760000e+02 : f32
          %lt3A_260 = vector.broadcast %lt3A_259 : f32 to vector<16xf32>
          %lt3A_261 = arith.cmpf olt, %div3A_240, %lt3A_260 : vector<16xf32>
          %and3A_262 = arith.andi %ge3A_258, %lt3A_261 : vector<16xi1>
          %ge3A_263 = arith.constant 0.000000e+00 : f32
          %ge3A_264 = vector.broadcast %ge3A_263 : f32 to vector<16xf32>
          %ge3A_265 = arith.cmpf oge, %div3A_246, %ge3A_264 : vector<16xf32>
          %and3A_266 = arith.andi %and3A_262, %ge3A_265 : vector<16xi1>
          %lt3A_267 = arith.constant 2.000000e+02 : f32
          %lt3A_268 = vector.broadcast %lt3A_267 : f32 to vector<16xf32>
          %lt3A_269 = arith.cmpf olt, %div3A_246, %lt3A_268 : vector<16xf32>
          %and3A_270 = arith.andi %and3A_266, %lt3A_269 : vector<16xi1>
          %ge3A_271 = arith.constant 0.000000e+00 : f32
          %ge3A_272 = vector.broadcast %ge3A_271 : f32 to vector<16xf32>
          %ge3A_273 = arith.cmpf oge, %div3A_252, %ge3A_272 : vector<16xf32>
          %and3A_274 = arith.andi %and3A_270, %ge3A_273 : vector<16xi1>
          %lt3A_275 = arith.constant 5.000000e+00 : f32
          %lt3A_276 = vector.broadcast %lt3A_275 : f32 to vector<16xf32>
          %lt3A_277 = arith.cmpf olt, %div3A_252, %lt3A_276 : vector<16xf32>
          %and3A_278 = arith.andi %and3A_274, %lt3A_277 : vector<16xi1>
          %mul3A_279 = arith.constant 176 : i32
          %mul3A_280 = vector.broadcast %mul3A_279 : i32 to vector<16xi32>
          %mul3A_281 = arith.muli %mul3A_280, %convert_element_type3A_254 : vector<16xi32>
          %add3A_282 = arith.addi %convert_element_type3A_253, %mul3A_281 : vector<16xi32>
          %mul3A_283 = arith.constant 35200 : i32
          %mul3A_284 = vector.broadcast %mul3A_283 : i32 to vector<16xi32>
          %mul3A_285 = arith.muli %mul3A_284, %convert_element_type3A_255 : vector<16xi32>
          %add3A_286 = arith.addi %add3A_282, %mul3A_285 : vector<16xi32>
          %jit3A_287 = arith.constant 176000 : i32
          %broadcast_in_dim3A_288 = vector.broadcast %jit3A_287 : i32 to vector<16xi32>
          %select_n3A_289 = arith.select %and3A_278, %add3A_286, %broadcast_in_dim3A_288 : vector<16xi1>, vector<16xi32>
          tpu.vector_store_idx %arg8[%add3A_222], %select_n3A_289 : memref<64xi32, #tpu.memory_space<vmem>>[vector<16xi32>], vector<16xi32>,
          %scatter3A_290 = arith.constant 0 : i32
          %scatter3A_291 = arith.constant 0 : i32
          %scatter3A_292 = tpu.memref_slice %arg6[%scan3A_65, %scatter3A_290, %scatter3A_291] : memref<32x64x8xf32, #tpu.memory_space<vmem>> -> memref<1x64x8xf32, #tpu.memory_space<vmem>>
          %scatter3A_293 = tpu.memref_squeeze %scatter3A_292 : memref<1x64x8xf32, #tpu.memory_space<vmem>> -> memref<64x8xf32, #tpu.memory_space<vmem>>
          tpu.vector_store_idx %scatter3A_293[%add3A_222, %broadcast_in_dim3A_0], %gather3A_227 : memref<64x8xf32, #tpu.memory_space<vmem>>[vector<16xi32>, vector<16xi32>], vector<16xf32>,
          %scatter3A_294 = arith.constant 0 : i32
          %scatter3A_295 = arith.constant 0 : i32
          %scatter3A_296 = tpu.memref_slice %arg6[%scan3A_65, %scatter3A_294, %scatter3A_295] : memref<32x64x8xf32, #tpu.memory_space<vmem>> -> memref<1x64x8xf32, #tpu.memory_space<vmem>>
          %scatter3A_297 = tpu.memref_squeeze %scatter3A_296 : memref<1x64x8xf32, #tpu.memory_space<vmem>> -> memref<64x8xf32, #tpu.memory_space<vmem>>
          tpu.vector_store_idx %scatter3A_297[%add3A_222, %add3A_2], %gather3A_232 : memref<64x8xf32, #tpu.memory_space<vmem>>[vector<16xi32>, vector<16xi32>], vector<16xf32>,
          %scatter3A_298 = arith.constant 0 : i32
          %scatter3A_299 = arith.constant 0 : i32
          %scatter3A_300 = tpu.memref_slice %arg6[%scan3A_65, %scatter3A_298, %scatter3A_299] : memref<32x64x8xf32, #tpu.memory_space<vmem>> -> memref<1x64x8xf32, #tpu.memory_space<vmem>>
          %scatter3A_301 = tpu.memref_squeeze %scatter3A_300 : memref<1x64x8xf32, #tpu.memory_space<vmem>> -> memref<64x8xf32, #tpu.memory_space<vmem>>
          tpu.vector_store_idx %scatter3A_301[%add3A_222, %add3A_5], %gather3A_237 : memref<64x8xf32, #tpu.memory_space<vmem>>[vector<16xi32>, vector<16xi32>], vector<16xf32>,
          %add3A_302 = arith.constant 48 : i32
          %add3A_303 = vector.broadcast %add3A_302 : i32 to vector<16xi32>
          %add3A_304 = arith.addi %iota3A, %add3A_303 : vector<16xi32>
          %gather3A_305 = arith.constant 0 : i32
          %gather3A_306 = arith.constant 0 : i32
          %gather3A_307 = tpu.memref_slice %arg5[%scan3A_65, %gather3A_305, %gather3A_306] : memref<32x64x4xf32, #tpu.memory_space<vmem>> -> memref<1x64x4xf32, #tpu.memory_space<vmem>>
          %gather3A_308 = tpu.memref_squeeze %gather3A_307 : memref<1x64x4xf32, #tpu.memory_space<vmem>> -> memref<64x4xf32, #tpu.memory_space<vmem>>
          %gather3A_309 = tpu.vector_load_idx %gather3A_308[%add3A_304, %broadcast_in_dim3A_0] : memref<64x4xf32, #tpu.memory_space<vmem>>[vector<16xi32>, vector<16xi32>], vector<16xf32>,
          %gather3A_310 = arith.constant 0 : i32
          %gather3A_311 = arith.constant 0 : i32
          %gather3A_312 = tpu.memref_slice %arg5[%scan3A_65, %gather3A_310, %gather3A_311] : memref<32x64x4xf32, #tpu.memory_space<vmem>> -> memref<1x64x4xf32, #tpu.memory_space<vmem>>
          %gather3A_313 = tpu.memref_squeeze %gather3A_312 : memref<1x64x4xf32, #tpu.memory_space<vmem>> -> memref<64x4xf32, #tpu.memory_space<vmem>>
          %gather3A_314 = tpu.vector_load_idx %gather3A_313[%add3A_304, %add3A_2] : memref<64x4xf32, #tpu.memory_space<vmem>>[vector<16xi32>, vector<16xi32>], vector<16xf32>,
          %gather3A_315 = arith.constant 0 : i32
          %gather3A_316 = arith.constant 0 : i32
          %gather3A_317 = tpu.memref_slice %arg5[%scan3A_65, %gather3A_315, %gather3A_316] : memref<32x64x4xf32, #tpu.memory_space<vmem>> -> memref<1x64x4xf32, #tpu.memory_space<vmem>>
          %gather3A_318 = tpu.memref_squeeze %gather3A_317 : memref<1x64x4xf32, #tpu.memory_space<vmem>> -> memref<64x4xf32, #tpu.memory_space<vmem>>
          %gather3A_319 = tpu.vector_load_idx %gather3A_318[%add3A_304, %add3A_5] : memref<64x4xf32, #tpu.memory_space<vmem>>[vector<16xi32>, vector<16xi32>], vector<16xf32>,
          %div3A_320 = arith.constant 4.000000e-01 : f32
          %div3A_321 = vector.broadcast %div3A_320 : f32 to vector<16xf32>
          %div3A_322 = arith.divf %gather3A_309, %div3A_321 : vector<16xf32>
          %sub3A_323 = arith.constant -4.000000e+01 : f32
          %sub3A_324 = vector.broadcast %sub3A_323 : f32 to vector<16xf32>
          %sub3A_325 = arith.subf %gather3A_314, %sub3A_324 : vector<16xf32>
          %div3A_326 = arith.constant 4.000000e-01 : f32
          %div3A_327 = vector.broadcast %div3A_326 : f32 to vector<16xf32>
          %div3A_328 = arith.divf %sub3A_325, %div3A_327 : vector<16xf32>
          %sub3A_329 = arith.constant -3.000000e+00 : f32
          %sub3A_330 = vector.broadcast %sub3A_329 : f32 to vector<16xf32>
          %sub3A_331 = arith.subf %gather3A_319, %sub3A_330 : vector<16xf32>
          %div3A_332 = arith.constant 8.000000e-01 : f32
          %div3A_333 = vector.broadcast %div3A_332 : f32 to vector<16xf32>
          %div3A_334 = arith.divf %sub3A_331, %div3A_333 : vector<16xf32>
          %convert_element_type3A_335 = arith.fptosi %div3A_322 : vector<16xf32> to vector<16xi32>
          %convert_element_type3A_336 = arith.fptosi %div3A_328 : vector<16xf32> to vector<16xi32>
          %convert_element_type3A_337 = arith.fptosi %div3A_334 : vector<16xf32> to vector<16xi32>
          %ge3A_338 = arith.constant 0.000000e+00 : f32
          %ge3A_339 = vector.broadcast %ge3A_338 : f32 to vector<16xf32>
          %ge3A_340 = arith.cmpf oge, %div3A_322, %ge3A_339 : vector<16xf32>
          %lt3A_341 = arith.constant 1.760000e+02 : f32
          %lt3A_342 = vector.broadcast %lt3A_341 : f32 to vector<16xf32>
          %lt3A_343 = arith.cmpf olt, %div3A_322, %lt3A_342 : vector<16xf32>
          %and3A_344 = arith.andi %ge3A_340, %lt3A_343 : vector<16xi1>
          %ge3A_345 = arith.constant 0.000000e+00 : f32
          %ge3A_346 = vector.broadcast %ge3A_345 : f32 to vector<16xf32>
          %ge3A_347 = arith.cmpf oge, %div3A_328, %ge3A_346 : vector<16xf32>
          %and3A_348 = arith.andi %and3A_344, %ge3A_347 : vector<16xi1>
          %lt3A_349 = arith.constant 2.000000e+02 : f32
          %lt3A_350 = vector.broadcast %lt3A_349 : f32 to vector<16xf32>
          %lt3A_351 = arith.cmpf olt, %div3A_328, %lt3A_350 : vector<16xf32>
          %and3A_352 = arith.andi %and3A_348, %lt3A_351 : vector<16xi1>
          %ge3A_353 = arith.constant 0.000000e+00 : f32
          %ge3A_354 = vector.broadcast %ge3A_353 : f32 to vector<16xf32>
          %ge3A_355 = arith.cmpf oge, %div3A_334, %ge3A_354 : vector<16xf32>
          %and3A_356 = arith.andi %and3A_352, %ge3A_355 : vector<16xi1>
          %lt3A_357 = arith.constant 5.000000e+00 : f32
          %lt3A_358 = vector.broadcast %lt3A_357 : f32 to vector<16xf32>
          %lt3A_359 = arith.cmpf olt, %div3A_334, %lt3A_358 : vector<16xf32>
          %and3A_360 = arith.andi %and3A_356, %lt3A_359 : vector<16xi1>
          %mul3A_361 = arith.constant 176 : i32
          %mul3A_362 = vector.broadcast %mul3A_361 : i32 to vector<16xi32>
          %mul3A_363 = arith.muli %mul3A_362, %convert_element_type3A_336 : vector<16xi32>
          %add3A_364 = arith.addi %convert_element_type3A_335, %mul3A_363 : vector<16xi32>
          %mul3A_365 = arith.constant 35200 : i32
          %mul3A_366 = vector.broadcast %mul3A_365 : i32 to vector<16xi32>
          %mul3A_367 = arith.muli %mul3A_366, %convert_element_type3A_337 : vector<16xi32>
          %add3A_368 = arith.addi %add3A_364, %mul3A_367 : vector<16xi32>
          %jit3A_369 = arith.constant 176000 : i32
          %broadcast_in_dim3A_370 = vector.broadcast %jit3A_369 : i32 to vector<16xi32>
          %select_n3A_371 = arith.select %and3A_360, %add3A_368, %broadcast_in_dim3A_370 : vector<16xi1>, vector<16xi32>
          tpu.vector_store_idx %arg8[%add3A_304], %select_n3A_371 : memref<64xi32, #tpu.memory_space<vmem>>[vector<16xi32>], vector<16xi32>,
          %scatter3A_372 = arith.constant 0 : i32
          %scatter3A_373 = arith.constant 0 : i32
          %scatter3A_374 = tpu.memref_slice %arg6[%scan3A_65, %scatter3A_372, %scatter3A_373] : memref<32x64x8xf32, #tpu.memory_space<vmem>> -> memref<1x64x8xf32, #tpu.memory_space<vmem>>
          %scatter3A_375 = tpu.memref_squeeze %scatter3A_374 : memref<1x64x8xf32, #tpu.memory_space<vmem>> -> memref<64x8xf32, #tpu.memory_space<vmem>>
          tpu.vector_store_idx %scatter3A_375[%add3A_304, %broadcast_in_dim3A_0], %gather3A_309 : memref<64x8xf32, #tpu.memory_space<vmem>>[vector<16xi32>, vector<16xi32>], vector<16xf32>,
          %scatter3A_376 = arith.constant 0 : i32
          %scatter3A_377 = arith.constant 0 : i32
          %scatter3A_378 = tpu.memref_slice %arg6[%scan3A_65, %scatter3A_376, %scatter3A_377] : memref<32x64x8xf32, #tpu.memory_space<vmem>> -> memref<1x64x8xf32, #tpu.memory_space<vmem>>
          %scatter3A_379 = tpu.memref_squeeze %scatter3A_378 : memref<1x64x8xf32, #tpu.memory_space<vmem>> -> memref<64x8xf32, #tpu.memory_space<vmem>>
          tpu.vector_store_idx %scatter3A_379[%add3A_304, %add3A_2], %gather3A_314 : memref<64x8xf32, #tpu.memory_space<vmem>>[vector<16xi32>, vector<16xi32>], vector<16xf32>,
          %scatter3A_380 = arith.constant 0 : i32
          %scatter3A_381 = arith.constant 0 : i32
          %scatter3A_382 = tpu.memref_slice %arg6[%scan3A_65, %scatter3A_380, %scatter3A_381] : memref<32x64x8xf32, #tpu.memory_space<vmem>> -> memref<1x64x8xf32, #tpu.memory_space<vmem>>
          %scatter3A_383 = tpu.memref_squeeze %scatter3A_382 : memref<1x64x8xf32, #tpu.memory_space<vmem>> -> memref<64x8xf32, #tpu.memory_space<vmem>>
          tpu.vector_store_idx %scatter3A_383[%add3A_304, %add3A_5], %gather3A_319 : memref<64x8xf32, #tpu.memory_space<vmem>>[vector<16xi32>, vector<16xi32>], vector<16xf32>,
          "tpu.region"() ({
            %run_scoped3A = tpu.sem_alloc : memref<!tpu.dma_semaphore, #tpu.memory_space<semaphore_mem>>
            %dma_start3A = arith.constant 0 : i32
            %dma_start3A_384 = arith.constant 0 : i32
            %dma_start3A_385 = tpu.memref_slice %arg6[%scan3A_65, %dma_start3A, %dma_start3A_384] : memref<32x64x8xf32, #tpu.memory_space<vmem>> -> memref<1x64x8xf32, #tpu.memory_space<vmem>>
            %dma_start3A_386 = tpu.memref_squeeze %dma_start3A_385 : memref<1x64x8xf32, #tpu.memory_space<vmem>> -> memref<64x8xf32, #tpu.memory_space<vmem>>
            %dma_start3A_387 = arith.constant 0 : i32
            %dma_start3A_388 = arith.constant 0 : i32
            %dma_start3A_389 = tpu.memref_slice %arg4[%dma_start3A_387, %dma_start3A_388] : memref<176128x8xf32, #tpu.memory_space<vmem_shared>> -> memref<176128x8xf32, #tpu.memory_space<vmem_shared>>
            tpu.enqueue_indirect_dma source(%dma_start3A_386 : memref<64x8xf32, #tpu.memory_space<vmem>>) target(%dma_start3A_389 : memref<176128x8xf32, #tpu.memory_space<vmem_shared>>) offsets(%arg8 : memref<64xi32, #tpu.memory_space<vmem>>) semaphore(%run_scoped3A : memref<!tpu.dma_semaphore, #tpu.memory_space<semaphore_mem>>) {add = true}
            %dma_wait3A = arith.constant 0 : i32
            %dma_wait3A_390 = arith.constant 0 : i32
            %dma_wait3A_391 = tpu.memref_slice %arg6[%scan3A_65, %dma_wait3A, %dma_wait3A_390] : memref<32x64x8xf32, #tpu.memory_space<vmem>> -> memref<1x64x8xf32, #tpu.memory_space<vmem>>
            %dma_wait3A_392 = tpu.memref_squeeze %dma_wait3A_391 : memref<1x64x8xf32, #tpu.memory_space<vmem>> -> memref<64x8xf32, #tpu.memory_space<vmem>>
            %dma_wait3A_393 = arith.constant 0 : i32
            %dma_wait3A_394 = arith.constant 0 : i32
            %dma_wait3A_395 = tpu.memref_slice %arg4[%dma_wait3A_393, %dma_wait3A_394] : memref<176128x8xf32, #tpu.memory_space<vmem_shared>> -> memref<176128x8xf32, #tpu.memory_space<vmem_shared>>
            tpu.wait_indirect_dma semaphore(%run_scoped3A : memref<!tpu.dma_semaphore, #tpu.memory_space<semaphore_mem>>) src(%dma_wait3A_392 : memref<64x8xf32, #tpu.memory_space<vmem>>) dst(%dma_wait3A_395 : memref<176128x8xf32, #tpu.memory_space<vmem_shared>>)
            tpu.yield
          }) : () -> ()
        }
        %scan3A_64 = arith.constant 32 : i32
      }
      %scan3A_46 = arith.constant 4 : i32
      %barrier3A_47 = arith.constant 0 : index
      tpu.barrier barrier_id(%barrier3A_47)
      %scan3A_48 = arith.constant 0 : i32
      %scan3A_49 = arith.constant 0 : i32
      %scan3A_50 = arith.constant 6 : i32
      %scan3A_51 = arith.addi %scan3A_49, %scan3A_50 : i32
      %scan3A_52 = arith.constant 1 : i32
      scf.for %scan3A_55 = %scan3A_49 to %scan3A_51 step %scan3A_52  : i32 {
        %mul3A_56 = arith.constant 2048 : i32
        %mul3A_57 = arith.muli %scan3A_55, %mul3A_56 : i32
        %min3A = arith.constant 8960 : i32
        %min3A_58 = arith.minsi %mul3A_57, %min3A : i32
        %scan3A_59 = arith.constant 0 : i32
        %scan3A_60 = arith.constant 0 : i32
        %scan3A_61 = arith.constant 32 : i32
        %scan3A_62 = arith.addi %scan3A_60, %scan3A_61 : i32
        %scan3A_63 = arith.constant 1 : i32
        scf.for %scan3A_85 = %scan3A_60 to %scan3A_62 step %scan3A_63  : i32 {
          %add3A_86 = arith.addi %mul3A_8, %min3A_58 : i32
          %mul3A_87 = arith.constant 64 : i32
          %mul3A_88 = arith.muli %scan3A_85, %mul3A_87 : i32
          %add3A_89 = arith.addi %add3A_86, %mul3A_88 : i32
          %add3A_90 = arith.constant 0 : i32
          %add3A_91 = vector.broadcast %add3A_90 : i32 to vector<16xi32>
          %add3A_92 = arith.addi %iota3A, %add3A_91 : vector<16xi32>
          %add3A_93 = arith.constant 0 : i32
          %add3A_94 = arith.addi %add3A_89, %add3A_93 : i32
          %add3A_95 = vector.broadcast %add3A_94 : i32 to vector<16xi32>
          %add3A_96 = arith.addi %add3A_95, %iota3A : vector<16xi32>
          tpu.vector_store_idx %arg8[%add3A_92], %add3A_96 : memref<64xi32, #tpu.memory_space<vmem>>[vector<16xi32>], vector<16xi32>,
          %add3A_97 = arith.constant 16 : i32
          %add3A_98 = vector.broadcast %add3A_97 : i32 to vector<16xi32>
          %add3A_99 = arith.addi %iota3A, %add3A_98 : vector<16xi32>
          %add3A_100 = arith.constant 16 : i32
          %add3A_101 = arith.addi %add3A_89, %add3A_100 : i32
          %add3A_102 = vector.broadcast %add3A_101 : i32 to vector<16xi32>
          %add3A_103 = arith.addi %add3A_102, %iota3A : vector<16xi32>
          tpu.vector_store_idx %arg8[%add3A_99], %add3A_103 : memref<64xi32, #tpu.memory_space<vmem>>[vector<16xi32>], vector<16xi32>,
          %add3A_104 = arith.constant 32 : i32
          %add3A_105 = vector.broadcast %add3A_104 : i32 to vector<16xi32>
          %add3A_106 = arith.addi %iota3A, %add3A_105 : vector<16xi32>
          %add3A_107 = arith.constant 32 : i32
          %add3A_108 = arith.addi %add3A_89, %add3A_107 : i32
          %add3A_109 = vector.broadcast %add3A_108 : i32 to vector<16xi32>
          %add3A_110 = arith.addi %add3A_109, %iota3A : vector<16xi32>
          tpu.vector_store_idx %arg8[%add3A_106], %add3A_110 : memref<64xi32, #tpu.memory_space<vmem>>[vector<16xi32>], vector<16xi32>,
          %add3A_111 = arith.constant 48 : i32
          %add3A_112 = vector.broadcast %add3A_111 : i32 to vector<16xi32>
          %add3A_113 = arith.addi %iota3A, %add3A_112 : vector<16xi32>
          %add3A_114 = arith.constant 48 : i32
          %add3A_115 = arith.addi %add3A_89, %add3A_114 : i32
          %add3A_116 = vector.broadcast %add3A_115 : i32 to vector<16xi32>
          %add3A_117 = arith.addi %add3A_116, %iota3A : vector<16xi32>
          tpu.vector_store_idx %arg8[%add3A_113], %add3A_117 : memref<64xi32, #tpu.memory_space<vmem>>[vector<16xi32>], vector<16xi32>,
          "tpu.region"() ({
            %run_scoped3A = tpu.sem_alloc : memref<!tpu.dma_semaphore, #tpu.memory_space<semaphore_mem>>
            %dma_start3A = arith.constant 0 : i32
            %dma_start3A_118 = arith.constant 0 : i32
            %dma_start3A_119 = tpu.memref_slice %arg6[%scan3A_85, %dma_start3A, %dma_start3A_118] : memref<32x64x8xf32, #tpu.memory_space<vmem>> -> memref<1x64x8xf32, #tpu.memory_space<vmem>>
            %dma_start3A_120 = tpu.memref_squeeze %dma_start3A_119 : memref<1x64x8xf32, #tpu.memory_space<vmem>> -> memref<64x8xf32, #tpu.memory_space<vmem>>
            %dma_start3A_121 = arith.constant 0 : i32
            %dma_start3A_122 = arith.constant 0 : i32
            %dma_start3A_123 = tpu.memref_slice %arg4[%dma_start3A_121, %dma_start3A_122] : memref<176128x8xf32, #tpu.memory_space<vmem_shared>> -> memref<176128x8xf32, #tpu.memory_space<vmem_shared>>
            tpu.enqueue_indirect_dma source(%dma_start3A_123 : memref<176128x8xf32, #tpu.memory_space<vmem_shared>>) target(%dma_start3A_120 : memref<64x8xf32, #tpu.memory_space<vmem>>) offsets(%arg8 : memref<64xi32, #tpu.memory_space<vmem>>) semaphore(%run_scoped3A : memref<!tpu.dma_semaphore, #tpu.memory_space<semaphore_mem>>)
            %dma_wait3A = arith.constant 0 : i32
            %dma_wait3A_124 = arith.constant 0 : i32
            %dma_wait3A_125 = tpu.memref_slice %arg6[%scan3A_85, %dma_wait3A, %dma_wait3A_124] : memref<32x64x8xf32, #tpu.memory_space<vmem>> -> memref<1x64x8xf32, #tpu.memory_space<vmem>>
            %dma_wait3A_126 = tpu.memref_squeeze %dma_wait3A_125 : memref<1x64x8xf32, #tpu.memory_space<vmem>> -> memref<64x8xf32, #tpu.memory_space<vmem>>
            %dma_wait3A_127 = arith.constant 0 : i32
            %dma_wait3A_128 = arith.constant 0 : i32
            %dma_wait3A_129 = tpu.memref_slice %arg4[%dma_wait3A_127, %dma_wait3A_128] : memref<176128x8xf32, #tpu.memory_space<vmem_shared>> -> memref<176128x8xf32, #tpu.memory_space<vmem_shared>>
            tpu.wait_indirect_dma semaphore(%run_scoped3A : memref<!tpu.dma_semaphore, #tpu.memory_space<semaphore_mem>>) src(%dma_wait3A_129 : memref<176128x8xf32, #tpu.memory_space<vmem_shared>>) dst(%dma_wait3A_126 : memref<64x8xf32, #tpu.memory_space<vmem>>)
            tpu.yield
          }) : () -> ()
        }
        %scan3A_64 = arith.constant 32 : i32
        %mul3A_65 = arith.constant 176128 : i32
        %mul3A_66 = arith.muli %add3A_23, %mul3A_65 : i32
        %add3A_67 = arith.addi %mul3A_66, %mul3A_8 : i32
        %add3A_68 = arith.addi %add3A_67, %min3A_58 : i32
        %jit3A = arith.constant 64 : i32
        %div3A = arith.divsi %add3A_68, %jit3A : i32
        %sign3A = arith.constant 0 : i32
        %sign3A_69 = arith.cmpi sgt, %add3A_68, %sign3A : i32
        %sign3A_70 = arith.extui %sign3A_69 : i1 to i32
        %sign3A_71 = arith.constant 0 : i32
        %sign3A_72 = arith.cmpi slt, %add3A_68, %sign3A_71 : i32
        %sign3A_73 = arith.extui %sign3A_72 : i1 to i32
        %sign3A_74 = arith.subi %sign3A_70, %sign3A_73 : i32
        %sign3A_75 = arith.constant 0 : i32
        %sign3A_76 = arith.cmpi sgt, %jit3A, %sign3A_75 : i32
        %sign3A_77 = arith.extui %sign3A_76 : i1 to i32
        %sign3A_78 = arith.constant 0 : i32
        %sign3A_79 = arith.cmpi slt, %jit3A, %sign3A_78 : i32
        %sign3A_80 = arith.extui %sign3A_79 : i1 to i32
        %sign3A_81 = arith.subi %sign3A_77, %sign3A_80 : i32
        %ne3A = arith.cmpi ne, %sign3A_74, %sign3A_81 : i32
        %rem3A = arith.remsi %add3A_68, %jit3A : i32
        %ne3A_82 = arith.constant 0 : i32
        %ne3A_83 = arith.cmpi ne, %rem3A, %ne3A_82 : i32
        %and3A = arith.andi %ne3A, %ne3A_83 : i1
        %sub3A = arith.constant 1 : i32
        %sub3A_84 = arith.subi %div3A, %sub3A : i32
        %select_n3A = arith.select %and3A, %sub3A_84, %div3A : i32
        "tpu.region"() ({
          %run_scoped3A = tpu.sem_alloc : memref<!tpu.dma_semaphore, #tpu.memory_space<semaphore_mem>>
          %dma_start3A = arith.constant 0 : i32
          %dma_start3A_85 = arith.constant 0 : i32
          %dma_start3A_86 = tpu.memref_slice %arg3[%select_n3A, %dma_start3A, %dma_start3A_85] : memref<11008x64x8xf32, #tpu.memory_space<hbm>> -> memref<32x64x8xf32, #tpu.memory_space<hbm>>
          %dma_start3A_87 = arith.constant 0 : i32
          %dma_start3A_88 = arith.constant 0 : i32
          %dma_start3A_89 = tpu.memref_slice %arg3[%select_n3A, %dma_start3A_87, %dma_start3A_88] : memref<11008x64x8xf32, #tpu.memory_space<hbm>> -> memref<32x64x8xf32, #tpu.memory_space<hbm>>
          tpu.enqueue_dma source(%arg6 : memref<32x64x8xf32, #tpu.memory_space<vmem>>) target(%dma_start3A_89 : memref<32x64x8xf32, #tpu.memory_space<hbm>>) target_semaphore(%run_scoped3A : memref<!tpu.dma_semaphore, #tpu.memory_space<semaphore_mem>>)
          %dma_wait3A = arith.constant 0 : i32
          %dma_wait3A_90 = arith.constant 0 : i32
          %dma_wait3A_91 = tpu.memref_slice %arg3[%select_n3A, %dma_wait3A, %dma_wait3A_90] : memref<11008x64x8xf32, #tpu.memory_space<hbm>> -> memref<32x64x8xf32, #tpu.memory_space<hbm>>
          %dma_wait3A_92 = arith.constant 0 : i32
          %dma_wait3A_93 = arith.constant 0 : i32
          %dma_wait3A_94 = tpu.memref_slice %arg3[%select_n3A, %dma_wait3A_92, %dma_wait3A_93] : memref<11008x64x8xf32, #tpu.memory_space<hbm>> -> memref<32x64x8xf32, #tpu.memory_space<hbm>>
          tpu.wait_dma2 semaphore(%run_scoped3A : memref<!tpu.dma_semaphore, #tpu.memory_space<semaphore_mem>>) src(%arg6 : memref<32x64x8xf32, #tpu.memory_space<vmem>>) dst(%dma_wait3A_94 : memref<32x64x8xf32, #tpu.memory_space<hbm>>)
          tpu.yield
        }) : () -> ()
      }
      %scan3A_53 = arith.constant 6 : i32
      %barrier3A_54 = arith.constant 0 : index
      tpu.barrier barrier_id(%barrier3A_54)
    }
    %scan3A_19 = arith.constant 2 : i32
    return
  }
}

module attributes {stable_mosaic.version = 14 : i64} {
  func.func @_tc_body(%arg0: i32, %arg1: memref<1000x64xf32, #tpu.memory_space<vmem>>, %arg2: memref<64x128xf32, #tpu.memory_space<vmem>>, %arg3: memref<64x128xf32, #tpu.memory_space<vmem>>, %arg4: memref<1000x128xf32, #tpu.memory_space<vmem>>) attributes {dimension_semantics = [#tpu.dimension_semantics<arbitrary>], iteration_bounds = array<i64: 88>, scalar_prefetch = 0 : i64, scratch_operands = 0 : i64, tpu.core_type = #tpu.core_type<tc>, window_params = [{transform_indices = @transform_0, window_bounds = array<i64: 1000, 64>}, {pipeline_mode = #tpu.pipeline_mode<synchronous>, transform_indices = @transform_1, window_bounds = array<i64: 64, 128>}, {pipeline_mode = #tpu.pipeline_mode<synchronous>, transform_indices = @transform_2, window_bounds = array<i64: 64, 128>}, {transform_indices = @transform_3, window_bounds = array<i64: 1000, 128>}]} {
    %get3A = arith.constant 0 : index
    %get3A_0 = arith.constant 0 : index
    %get3A_1 = vector.load %arg1[%get3A, %get3A_0] : memref<1000x64xf32, #tpu.memory_space<vmem>>, vector<1000x64xf32>
    %get3A_2 = arith.constant 0 : index
    %get3A_3 = arith.constant 0 : index
    %get3A_4 = vector.load %arg2[%get3A_2, %get3A_3] : memref<64x128xf32, #tpu.memory_space<vmem>>, vector<64x128xf32>
    %dot_general3A = arith.constant dense<0.000000e+00> : vector<1000x128xf32>
    %dot_general3A_5 = tpu.matmul %get3A_1, %get3A_4, %dot_general3A {dimension_numbers = #tpu.dot_dimension_numbers<[1], [0], [0], [1], [0, 0, 1, 1], [], []>, transpose_lhs_hint = false} : vector<1000x64xf32>, vector<64x128xf32>, vector<1000x128xf32> -> vector<1000x128xf32>
    %max3A = arith.constant 0.000000e+00 : f32
    %max3A_6 = vector.broadcast %max3A : f32 to vector<1000x128xf32>
    %max3A_7 = arith.maximumf %dot_general3A_5, %max3A_6 : vector<1000x128xf32>
    %get3A_8 = arith.constant 0 : index
    %get3A_9 = arith.constant 0 : index
    %get3A_10 = vector.load %arg3[%get3A_8, %get3A_9] : memref<64x128xf32, #tpu.memory_space<vmem>>, vector<64x128xf32>
    %dot_general3A_11 = arith.constant dense<0.000000e+00> : vector<1000x128xf32>
    %dot_general3A_12 = tpu.matmul %get3A_1, %get3A_10, %dot_general3A_11 {dimension_numbers = #tpu.dot_dimension_numbers<[1], [0], [0], [1], [0, 0, 1, 1], [], []>, transpose_lhs_hint = false} : vector<1000x64xf32>, vector<64x128xf32>, vector<1000x128xf32> -> vector<1000x128xf32>
    %max3A_13 = arith.constant 1.000000e+00 : f32
    %max3A_14 = vector.broadcast %max3A_13 : f32 to vector<1000x128xf32>
    %max3A_15 = arith.maximumf %dot_general3A_12, %max3A_14 : vector<1000x128xf32>
    %div3A = arith.divf %max3A_7, %max3A_15 : vector<1000x128xf32>
    %swap3A = arith.constant 0 : index
    %swap3A_16 = arith.constant 0 : index
    %swap3A_17 = vector.load %arg4[%swap3A, %swap3A_16] : memref<1000x128xf32, #tpu.memory_space<vmem>>, vector<1000x128xf32>
    tpu.vector_store %arg4[%swap3A, %swap3A_16], %div3A {strides = array<i32>} : memref<1000x128xf32, #tpu.memory_space<vmem>>, vector<1000x128xf32>,
    return
  }
  func.func @transform_0(%arg0: i32) -> (i32, i32) {
    %c0_i32 = arith.constant 0 : i32
    %c0_i32_0 = arith.constant 0 : i32
    return %arg0, %c0_i32 : i32, i32
  }
  func.func @transform_1(%arg0: i32) -> (i32, i32) {
    %c0_i32 = arith.constant 0 : i32
    %c0_i32_0 = arith.constant 0 : i32
    %c0_i32_1 = arith.constant 0 : i32
    return %c0_i32, %c0_i32_0 : i32, i32
  }
  func.func @transform_2(%arg0: i32) -> (i32, i32) {
    %c0_i32 = arith.constant 0 : i32
    %c0_i32_0 = arith.constant 0 : i32
    %c0_i32_1 = arith.constant 0 : i32
    return %c0_i32, %c0_i32_0 : i32, i32
  }
  func.func @transform_3(%arg0: i32) -> (i32, i32) {
    %c0_i32 = arith.constant 0 : i32
    %c0_i32_0 = arith.constant 0 : i32
    return %arg0, %c0_i32 : i32, i32
  }
}

</mosaic_0001>

<sc_bundles>
// kernel: kernel.4.cloned.1.call-start
scs
__scs_entry_jumppad:
0x0: {  	(pc) =	sbr.rel $0x88, $3  }
0x1: {  	(tag) =	ssettag $0x0;
	lr =	simm.s32 $0x1  }
0x2: {  	[smem:$0x3F9F] =	sst lr;
	_ =	strace $0xD0000000  }
0x3: {  	_ = 	snop  }
0x4: {  	_ = 	snop  }
0x5: {  	_ = 	snop  }
0x6: {  	_ = 	snop  }
0x7: {  	_ = 	snop  }
__scs_overlays_trampoline_lowered:
0x8: {  	[smem:$0x3FAE] =	sst s0  }
0x9: {  	[smem:$0x3FAF] =	sst s1  }
0xa: {  	[smem:$0x3FB0] =	sst s2  }
0xb: {  	[smem:$0x3FB1] =	sst s3  }
0xc: {  	[smem:$0x3FB2] =	sst s4  }
0xd: {  	[smem:$0x3FB3] =	sst s5  }
0xe: {  	[smem:$0x3FB4] =	sst s6  }
0xf: {  	[smem:$0x3FB5] =	sst s7  }
0x10: {  	[smem:$0x3FB6] =	sst s8  }
0x11: {  	[smem:$0x3FB7] =	sst s9;
	s0 =	simm.s32 @!p0 $0x0  }
0x12: {  	s1 =	sld [smem:$0x3F9D];
	s0 =	simm.s32 @p0 $0x1  }
0x13: {  	[smem:$0x3FB8] =	sst s0;
	s0 =	simm.s32 @!p1 $0x0  }
0x14: {  	s2 =	sld [smem:$0x3F9C];
	s0 =	simm.s32 @p1 $0x1  }
0x15: {  	[smem:$0x3FB9] =	sst s0;
	s0 =	simm.s32 @!p2 $0x0  }
0x16: {  	s3 =	sld [smem:$0x3FDB];
	s0 =	simm.s32 @p2 $0x1  }
0x17: {  	s4 =	simm.s32 $0x1BF5;
	[smem:$0x3FBB] =	sst s0  }
0x18: {  	s0 =	sld [smem:$0x3F9E];
	_ =	swait.ge [sflag:s4], $0x0  }
0x19: {  	s7 =	sld [smem:$0x3F9F]  }
0x1a: {  	s8 =	sadd.s32 $0xFFFFE003, lr  }
0x1b: {  	s9 =	sadd.s32 $0xFFFFFEF7, lr;
	s5 =	simm.s32 $0xFFFFFFFF;
	p2 =	slt.u32 s8, $0xFFFFF086  }
0x1c: {  	p1 =	slt.u32 s9, $0xF7A;
	s5 =	simm.s32 @!p2 $0x0  }
0x1d: {  	s5 =	simm.s32 @p1 $0x1;
	p0 =	seq.s32 s7, s2  }
0x1e: {  	s7 =	smul.u32 @!p0 $0xF7A, s2;
	p2 =	seq.s32 @!p0 s5, $0x0  }
0x1f: {  	s9 =	smul.u32 $0xF7A, s1;
	s8 =	simm.s32 @!p0 $0x1BF5;
	p2 =	por !p2, p0  }
0x20: {  	[sflag:s8] =	ssyncset.s32 @!p0 $0xFFFFF086;
	s6 =	sadd.s32 @!p0 s3, s7;
	s7 =	simm.s32 @!p0 $0x108  }
0x21: {  	s3 =	sadd.s32 s3, s9;
	s6 =	sadd.s32 @!p0 $0x88, s6;
	s7 =	simm.s32 @p2 $0x1082  }
0x22: {  	[simem:s7], [sflag:s8] =	dma.local @!p0 [hbm:s6], $0xF7A  }
0x23: {  	s9 =	sor.u32 $0xD0000000, s2;
	s6 =	simm.s32 $0x108;
	_ =	swait.ge @!p0 [sflag:s8], $0x0  }
0x24: {  	s3 =	sadd.s32 $0x88, s3;
	s6 =	simm.s32 @!p1 $0x1082;
	[sflag:s4] =	ssyncset.s32 $0xFFFFF086  }
0x25: {  	[simem:s6], [sflag:s4] =	dma.local [hbm:s3], $0xF7A  }
0x26: {  	[smem:$0x3F9F] =	sst s1;
	(tag) =	ssettag s2;
	_ =	strace s9  }
0x27: {  	s1 =	sld [smem:$0x3FAF]  }
0x28: {  	s2 =	sld [smem:$0x3FB0]  }
0x29: {  	s4 =	sld [smem:$0x3FB2]  }
0x2a: {  	p0 =	seq.s32 s5, $0x0;
	s5 =	sld [smem:$0x3FB3]  }
0x2b: {  	s6 =	sld [smem:$0x3FB4]  }
0x2c: {  	s7 =	sld [smem:$0x3FB5]  }
0x2d: {  	s3 =	simm.s32 $0x108;
	s8 =	sld [smem:$0x3FB6]  }
0x2e: {  	s3 =	simm.s32 @!p0 $0x1082;
	s9 =	sld [smem:$0x3FB7]  }
0x2f: {  	lr =	sadd.s32 s0, s3;
	s0 =	sld [smem:$0x3FAE]  }
0x30: {  	s3 =	sld [smem:$0x3FB1]  }
0x31: {  	[smem:$0x3FBA] =	sst s10  }
0x32: {  	s10 =	sld [smem:$0x3FB8];
	_ =	sdelay $0x3  }
0x33: {  	p0 =	seq.s32 s10, $0x1;
	s10 =	sld [smem:$0x3FBA];
	_ =	sdelay $0x3  }
0x34: {  	[smem:$0x3FBA] =	sst s10  }
0x35: {  	s10 =	sld [smem:$0x3FB9];
	_ =	sdelay $0x3  }
0x36: {  	p1 =	seq.s32 s10, $0x1;
	s10 =	sld [smem:$0x3FBA];
	_ =	sdelay $0x3  }
0x37: {  	[smem:$0x3FBA] =	sst s10  }
0x38: {  	s10 =	sld [smem:$0x3FBB]  }
0x39: {  	_ = 	snop;
	(pc) =	sbr.ind lr, $3  }
0x3a: {  	_ = 	snop  }
0x3b: {  	_ = 	snop  }
0x3c: {  	p2 =	seq.s32 s10, $0x1;
	s10 =	sld [smem:$0x3FBA]  }
0x3d: {  	_ =	shalt  }
0x3e: {  	_ =	shalt  }
0x3f: {  	_ =	shalt  }
0x40: {  	_ =	shalt  }
0x41: {  	_ =	shalt  }
0x42: {  	_ =	shalt  }
0x43: {  	_ =	shalt  }
0x44: {  	_ =	shalt  }
0x45: {  	_ =	shalt  }
0x46: {  	_ =	shalt  }
0x47: {  	_ =	shalt  }
0x48: {  	_ =	shalt  }
0x49: {  	_ =	shalt  }
0x4a: {  	_ =	shalt  }
0x4b: {  	_ =	shalt  }
0x4c: {  	_ =	shalt  }
0x4d: {  	_ =	shalt  }
0x4e: {  	_ =	shalt  }
0x4f: {  	_ =	shalt  }
0x50: {  	_ =	shalt  }
0x51: {  	_ =	shalt  }
0x52: {  	_ =	shalt  }
0x53: {  	_ =	shalt  }
0x54: {  	_ =	shalt  }
0x55: {  	_ =	shalt  }
0x56: {  	_ =	shalt  }
0x57: {  	_ =	shalt  }
0x58: {  	_ =	shalt  }
0x59: {  	_ =	shalt  }
0x5a: {  	_ =	shalt  }
0x5b: {  	_ =	shalt  }
0x5c: {  	_ =	shalt  }
0x5d: {  	_ =	shalt  }
0x5e: {  	_ =	shalt  }
0x5f: {  	_ =	shalt  }
0x60: {  	_ =	shalt  }
0x61: {  	_ =	shalt  }
0x62: {  	_ =	shalt  }
0x63: {  	_ =	shalt  }
0x64: {  	_ =	shalt  }
0x65: {  	_ =	shalt  }
0x66: {  	_ =	shalt  }
0x67: {  	_ =	shalt  }
0x68: {  	_ =	shalt  }
0x69: {  	_ =	shalt  }
0x6a: {  	_ =	shalt  }
0x6b: {  	_ =	shalt  }
0x6c: {  	_ =	shalt  }
0x6d: {  	_ =	shalt  }
0x6e: {  	_ =	shalt  }
0x6f: {  	_ =	shalt  }
0x70: {  	_ =	shalt  }
0x71: {  	_ =	shalt  }
0x72: {  	_ =	shalt  }
0x73: {  	_ =	shalt  }
0x74: {  	_ =	shalt  }
0x75: {  	_ =	shalt  }
0x76: {  	_ =	shalt  }
0x77: {  	_ =	shalt  }
0x78: {  	_ =	shalt  }
0x79: {  	_ =	shalt  }
0x7a: {  	_ =	shalt  }
0x7b: {  	_ =	shalt  }
0x7c: {  	_ =	shalt  }
0x7d: {  	_ =	shalt  }
0x7e: {  	_ =	shalt  }
0x7f: {  	_ =	shalt  }
0x80: {  	_ =	shalt  }
0x81: {  	_ =	shalt  }
0x82: {  	_ =	shalt  }
0x83: {  	_ =	shalt  }
0x84: {  	_ =	shalt  }
0x85: {  	_ =	shalt  }
0x86: {  	_ =	shalt  }
0x87: {  	_ =	shalt  }
.Lfunc_end0:
.L_simem_size_0:
called_computation.1_lowered:
.L_overlay_start_0:
0x88: {  	s2 =	sld [smem:$0x3FD9]  }
0x89: {  	s3 =	sld [smem:$0x3FFE];
	_ =	sdelay $0x1  }
0x8a: {  	s1 =	srdreg.scid  }
0x8b: {  	s0 =	sand.u32 $0x1, s1  }
0x8c: {  	s17 =	sshll.u32 s0, $0xA;
	s2 =	sadd.s32 s3, s2  }
0x8d: {  	s2 =	sadd.s32 s2, s17  }
0x8e: {  	[smem:$0x3FC6] =	sst s2  }
0x8f: {  	_ = 	snop  }
0x90: {  	s2 =	sld [smem:$0x3FD0];
	(tm) =	ssettm $0x1  }
0x91: {  	s18 =	sld [smem:$0x3FFB];
	_ =	sdelay $0x3  }
0x92: {  	_ =	strace s18  }
0x93: {  	s3 =	sld [smem:$0x3FFC];
	_ =	sdelay $0x3  }
0x94: {  	_ =	strace s3  }
0x95: {  	s3 =	sld [smem:$0x3FFD];
	_ =	sdelay $0x3  }
0x96: {  	_ =	strace s3  }
0x97: {  	_ =	strace $0x8FFFFFFF  }
0x98: {  	s19 =	sld [smem:$0x3FDB];
	_ =	sdelay $0x1  }
0x99: {  	s4 =	simm.s32 $_scs_section_size  }
0x9a: {  	s5 =	simm.s32 $_size__tile_overlayer_lowered;
	s6 =	simm.s32 $_tile_overlayer_lowered  }
0x9b: {  	s22 =	simm.s32 $0x1BFF;
	s21 =	sshll.u32 s6, $0x1;
	s3 =	sadd.s32 s4, s19  }
0x9c: {  	s7 =	simm.s32 $0x0;
	s20 =	sshll.u32 s5, $0x1;
	s5 =	sadd.s32 s21, s3  }
0x9d: {  	[timem:s7], [sflag:s22] =	dma.local [hbm:s5], s20  }
0x9e: {  	_ =	swait.ge [sflag:s22], s20  }
0x9f: {  	s4 =	ssub.s32 $0x0, s20;
	[sflag:s22] =	ssyncset.done $0x0  }
0xa0: {  	[sflag:s22] =	ssyncadd.s32 s4;
	_ =	sdelay $0x1  }
0xa1: {  	s23 =	simm.s32 $0x1B8B  }
0xa2: {  	_ =	swait.ge [sflag:s23], $0x1  }
0xa3: {  	[sflag:s23] =	ssyncset.done $0x0  }
0xa4: {  	s25 =	simm.s32 $0x1B8E;
	s24 =	sld [smem:$0x3FFE];
	[sflag:s23] =	ssyncadd.s32 $0xFFFFFFFF  }
0xa5: {  	s26 =	simm.s32 $execute0_lowered;
	[smem:$0x3FD2] =	sst s25  }
0xa6: {  	s5 =	sshll.u32 s26, $0x1;
	_ =	strace $0x80000046;
	[dreg:$0x1] =	wrdreg $0xFFFFFFFF  }
0xa7: {  	s28 =	simm.s32 $_size_execute0_lowered;
	s3 =	sadd.s32 s3, s5;
	[dreg:$0x0] =	wrdreg $0x0  }
0xa8: {  	s5 =	sshll.u32 s28, $0x1;
	[dreg:$0x2] =	wrdreg s3  }
0xa9: {  	[dreg:$0x3] =	wrdreg s5  }
0xaa: {  	[dreg:$0x4] =	wrdreg $0xC0  }
0xab: {  	_ =	task [dreg:s7], $0x5FFFF  }
0xac: {  	[dreg:$0x1] =	wrdreg $0xFFFFFFFF  }
0xad: {  	[dreg:$0x0] =	wrdreg $0x60  }
0xae: {  	[dreg:$0x2] =	wrdreg s24  }
0xaf: {  	[dreg:$0x3] =	wrdreg s2  }
0xb0: {  	[dreg:$0x4] =	wrdreg $0x0  }
0xb1: {  	[dreg:$0x5] =	wrdreg $0x9  }
0xb2: {  	_ =	task.clear_ibuf [dreg:s7], $0x6FFFF;
	_ =	strace $0x90000046  }
0xb3: {  	s29 =	simm.s32 $0x9;
	_ =	strace $0x80000048  }
0xb4: {  	_ =	swait.ge [sflag:s29], $0x1  }
0xb5: {  	[sflag:s29] =	ssyncadd.s32 $0xFFFFFFFF  }
0xb6: {  	_ =	strace $0x90000048  }
0xb7: {  	_ =	sfence  }
0xb8: {  	s30 =	sld [smem:$0x0];
	_ =	sdelay $0x2  }
0xb9: {  	s31 =	sshll.u32 s1, $0xD;
	s1 =	sshrl.u32 s1, $0x2  }
0xba: {  	s3 =	sand.u32 $0x4000, s31;
	s1 =	sadd.s32 s1, s30  }
0xbb: {  	s0 =	sor.u32 s3, s0;
	s1 =	sshll.u32 s1, $0x11  }
0xbc: {  	s0 =	sor.u32 s1, s0  }
0xbd: {  	s0 =	sadd.s32 $0x8F2B, s0  }
0xbe: {  	[sflag:s0] =	ssyncadd.remote.s32 $0x1  }
0xbf: {  	_ =	sfence.sel $0xFFFF  }
0xc0: {  	[dreg:$0x0] =	wrdreg $0xFFFFFFFF;
	(pc) =	sbr.abs _section_cstart, $3  }
0xc1: {  	[dreg:$0x1] =	wrdreg $0xFFFFFFFF  }
0xc2: {  	_ =	task.clear_ibuf [dreg:s7], $0x2FFFF;
	_ =	strace $0x9FFFFFFF  }
0xc3: {  	(tm) =	ssettm $0x7FFFFFFF  }
tec
execute0_lowered:
.L_overlay_start_1:
0x0: {  	(tag) =	ssettag $0x1  }
0x1: {  	s5 =	rddreg [dreg:$0x0]  }
0x2: {  	s1 =	rddreg [dreg:$0x1]  }
0x3: {  	s2 =	rddreg [dreg:$0x2];
	s3 =	simm.s32 $0x0  }
0x4: {  	[smem:$0x7FF] =	sst s3  }
0x5: {  	s0 =	rddreg [dreg:$0x3];
	v0 =	vimm.f32 $4.000000060e-01;
	_ =	strace $0x80000047  }
0x6: {  	(erf) = vrcp.f32 v0;
	v0 =	vimm.f32 $8.000000110e-01  }
0x7: {  	(erf) = vrcp.f32 v0;
	_ =	sdelay $0x2  }
0x8: {  	s6 =	srdreg.scid;
	v1 =	vimm.f32 $0.0e+00;
	vm0 =	vcmask $0xF0C;
	v0 =	vlaneseq.u32  }
0x9: {  	s4 =	stileid.u32;
	vm15 =	vcmask $0x2F2C;
	s9 =	simm.s32 $0x1D800;
	s10 =	simm.s32 $0x19800;
	v3 =	vsel vm0, $0x3F800000, v1;
	v2 =	vmul.u32 $0x8, v0  }
0xa: {  	s11 =	simm.s32 $0x1DA00;
	s12 =	simm.s32 $0x40;
	s6 =	sand.u32 $0x1, s6;
	v3 =	vsel vm15, $0x3F800000, v3;
	v4 =	vor.u32 $0x10, v0;
	v5 =	vor.u32 $0x20, v0  }
0xb: {  	s13 =	simm.s32 $0x1;
	s14 =	simm.s32 $0x15800;
	s8 =	ssub.s32 $0x2, s6;
	v6 =	vor.u32 $0x30, v0;
	v7 =	vor.u32 $0x1, v2;
	v8 =	vor.u32 $0x2, v2  }
0xc: {  	s15 =	simm.s32 $0x0;
	s7 =	sshll.u32 s4, $0xD;
	s31 =	sshrl.u32 s8, $0x1;
	v9 =	vor.u32 $0x80, v2;
	v10 =	vor.u32 $0x81, v2;
	v11 =	vor.u32 $0x82, v2  }
0xd: {  	s7 =	sadd.s32 s7, s5;
	s5 =	smul.u32 $0x2B00, s4;
	s8 =	ssub.s32 s8, s31;
	v13 =	vor.u32 $0x100, v2;
	v14 =	vor.u32 $0x101, v2;
	v15 =	vor.u32 $0x102, v2;
	v12 =	vpop (erf)  }
0xe: {  	s6 =	sshll.u32 s6, $0x1;
	s7 =	sadd.s32 $0x1600, s7;
	s8 =	smax.u32 s8, $0x1;
	v17 =	vor.u32 $0x180, v2;
	v18 =	vor.u32 $0x181, v2;
	v19 =	vor.u32 $0x182, v2;
	v16 =	vpop (erf)  }
.LBB2_1:
0xf: {  	s16 =	simm.s32 $0x0  }
.LBB2_2:
0x10: {  	v20 =	vor.u32 s16, v0;
	p0 =	sne.s32 s16, $0x1F0  }
.Ltmp0:
0x11: {  	_ = 	snop;
	(pc) =	sbr.rel @p0 .LBB2_2-.Ltmp0, $2  }
0x12: {  	_ =	sdelay $0x2  }
0x13: {  	s16 =	sadd.s32 $0x10, s16;
	[tilespmem:v20+s9+$0x0] =	vst.idx.msk $0xffff, v1  }
0x14: {  	s16 =	simm.s32 $0x0;
	p1 =	por $0x1, $0x1  }
.LBB2_4:
0x15: {  	p0 =	por p1, p1;
	s17 =	simm.s32 $0x0  }
.LBB2_5:
0x16: {  	v20 =	vor.u32 s17, v0;
	p1 =	sne.s32 s17, $0x3FF0  }
.Ltmp1:
0x17: {  	_ = 	snop;
	(pc) =	sbr.rel @p1 .LBB2_5-.Ltmp1, $2  }
0x18: {  	_ =	sdelay $0x2  }
0x19: {  	s17 =	sadd.s32 $0x10, s17;
	[tilespmem:v20+s10+$0x0] =	vst.idx.msk $0xffff, v3  }
0x1a: {  	_ =	sdelay $0x1  }
0x1b: {  	s17 =	sadd.s32 $0x0, s5  }
0x1c: {  	v20 =	vor.u32 s17, v0;
	s18 =	sadd.s32 $0x10, s17  }
0x1d: {  	s31 =	sadd.s32 $0x20, s17;
	[tilespmem:v0+s11+$0x0] =	vst.idx.msk $0xffff, v20;
	v20 =	vor.u32 s18, v0  }
0x1e: {  	s17 =	sadd.s32 $0x30, s17;
	[tilespmem:v4+s11+$0x0] =	vst.idx.msk $0xffff, v20;
	v20 =	vor.u32 s31, v0  }
0x1f: {  	[tilespmem:v5+s11+$0x0] =	vst.idx.msk $0xffff, v20;
	v20 =	vor.u32 s17, v0  }
0x20: {  	[tilespmem:v6+s11+$0x0] =	vst.idx.msk $0xffff, v20  }
0x21: {  	[spmem:s2] =	stream.indirect.scatter [tilespmem:s9], [sflag:$0x1], $0x8, s11, s12, $0xb8;
	[tilespmem:$0x1DA40] =	vst v63  }
0x22: {  	_ =	swait.ge [sflag:s13], $0x200  }
0x23: {  	s18 =	simm.s32 $0x80;
	s17 =	sadd.s32 $0x40, s5;
	[sflag:s13] =	ssyncset.done $0x0  }
.LBB2_7:
0x24: {  	s19 =	sadd.s32 $0x10, s17  }
0x25: {  	v20 =	vor.u32 s17, v0;
	[sflag:s13] =	ssyncadd.s32 $0xFFFFFE00;
	s20 =	smov.u32 s18;
	s21 =	sadd.s32 $0x40, s18  }
0x26: {  	p1 =	sne.s32 s18, $0x2AC0;
	s18 =	sadd.s32 $0x20, s17;
	[tilespmem:v0+s11+$0x0] =	vst.idx.msk $0xffff, v20;
	v20 =	vor.u32 s19, v0  }
0x27: {  	s17 =	sadd.s32 $0x30, s17;
	[tilespmem:v4+s11+$0x0] =	vst.idx.msk $0xffff, v20;
	v20 =	vor.u32 s18, v0  }
.Ltmp2:
0x28: {  	[tilespmem:v5+s11+$0x0] =	vst.idx.msk $0xffff, v20;
	v20 =	vor.u32 s17, v0;
	(pc) =	sbr.rel @p1 .LBB2_7-.Ltmp2, $4  }
0x29: {  	[tilespmem:v6+s11+$0x0] =	vst.idx.msk $0xffff, v20  }
0x2a: {  	[spmem:s2] =	stream.indirect.scatter [tilespmem:s9], [sflag:$0x1], $0x8, s11, s12, $0xb8;
	[tilespmem:$0x1DA40] =	vst v63  }
0x2b: {  	_ =	swait.ge [sflag:s13], $0x200  }
0x2c: {  	s18 =	smov.u32 s21;
	s17 =	sadd.s32 s20, s5;
	[sflag:s13] =	ssyncset.done $0x0  }
0x2d: {  	_ =	sdelay $0x2  }
0x2e: {  	v20 =	vor.u32 s17, v0;
	s18 =	sadd.s32 $0x10, s17;
	[sflag:s13] =	ssyncadd.s32 $0xFFFFFE00  }
0x2f: {  	s29 =	sadd.s32 $0x20, s17;
	[tilespmem:v0+s11+$0x0] =	vst.idx.msk $0xffff, v20;
	v20 =	vor.u32 s18, v0  }
0x30: {  	s30 =	sadd.s32 $0x30, s17;
	[tilespmem:v4+s11+$0x0] =	vst.idx.msk $0xffff, v20;
	v20 =	vor.u32 s29, v0  }
0x31: {  	[tilespmem:v5+s11+$0x0] =	vst.idx.msk $0xffff, v20;
	v20 =	vor.u32 s30, v0  }
0x32: {  	[tilespmem:v6+s11+$0x0] =	vst.idx.msk $0xffff, v20  }
0x33: {  	[spmem:s2] =	stream.indirect.scatter [tilespmem:s9], [sflag:$0x1], $0x8, s11, s12, $0xb8;
	[tilespmem:$0x1DA40] =	vst v63  }
0x34: {  	_ =	swait.ge [sflag:s13], $0x200  }
0x35: {  	s16 =	sor.u32 s6, s16;
	[sflag:s13] =	ssyncset.done $0x0  }
0x36: {  	s19 =	simm.s32 $0x0;
	s31 =	sshll.u32 s16, $0x11;
	[sflag:s13] =	ssyncadd.s32 $0xFFFFFE00  }
0x37: {  	s18 =	simm.s32 $0x0;
	s17 =	sadd.s32 s31, s7;
	[bflag:$0x0] =	sbarrier.arrive $0xFFFF  }
.LBB2_9:
0x38: {  	s20 =	sshll.u32 s19, $0xB  }
0x39: {  	s20 =	sadd.s32 s20, s17  }
0x3a: {  	[tilespmem:s14], [sflag:$0x1] =	stream.linear.gather [hbm4b:s20+s18], $0x4000, $0x38;
	[tilespmem:$0x1DA40] =	vst v63  }
0x3b: {  	_ =	swait.ge [sflag:s13], $0x4000  }
0x3c: {  	[sflag:s13] =	ssyncset.done $0x0  }
0x3d: {  	s20 =	simm.s32 $0x0;
	[sflag:s13] =	ssyncadd.s32 $0xFFFFC000  }
0x3e: {  	v20 =	vld.idx.msk [tilespmem:v8+s20+$0x15800], $0xffff  }
0x3f: {  	v21 =	vld.idx.msk [tilespmem:v7+s20+$0x15800], $0xffff  }
0x40: {  	v22 =	vld.idx.msk [tilespmem:v2+s20+$0x15800], $0xffff;
	_ =	sdelay $0x3  }
0x41: {  	v24 =	vadd.f32 $4.000000000e+01, v21  }
0x42: {  	v23 =	vadd.f32 $3.000000000e+00, v20;
	v25 =	vmul.f32 v22, v12  }
0x43: {  	v24 =	vmul.f32 v24, v12  }
0x44: {  	v23 =	vmul.f32 v23, v16;
	vm1 =	vge.f32 v25, $0.0e+00  }
0x45: {  	vm2 =	vlt.f32 v25, $1.760000000e+02;
	v25 =	vtrunc.f32 v25;
	v27 =	vtrunc.f32 v24  }
0x46: {  	v26 =	vtrunc.f32 v23;
	vm0 =	vge.f32 v24, $0.0e+00;
	v27 =	vcvt.f32.s32 v27  }
0x47: {  	v26 =	vcvt.f32.s32 v26;
	vm0 =	vmand vm1, vm0;
	vm1 =	vlt.f32 v24, $2.000000000e+02  }
0x48: {  	v24 =	vcvt.f32.s32 v25;
	vm0 =	vmand vm0, vm2;
	v25 =	vmul.u32 $0xB0, v27  }
0x49: {  	vm0 =	vmand vm1, vm0;
	vm1 =	vge.f32 v23, $0.0e+00;
	v26 =	vmul.u32 $0x8980, v26  }
0x4a: {  	vm0 =	vmand vm1, vm0;
	vm1 =	vlt.f32 v23, $5.000000000e+00;
	v23 =	vadd.s32 v24, v25  }
0x4b: {  	vm0 =	vmand vm1, vm0;
	v23 =	vadd.s32 v26, v23  }
0x4c: {  	v23 =	vnsel vm0, $0x2AF80, v23  }
0x4d: {  	[tilespmem:v0+s11+$0x0] =	vst.idx.msk $0xffff, v23  }
0x4e: {  	[tilespmem:v2+s20+$0x19800] =	vst.idx.msk $0xffff, v22  }
0x4f: {  	[tilespmem:v7+s20+$0x19800] =	vst.idx.msk $0xffff, v21  }
0x50: {  	[tilespmem:v8+s20+$0x19800] =	vst.idx.msk $0xffff, v20  }
0x51: {  	v20 =	vld.idx.msk [tilespmem:v10+s20+$0x15800], $0xffff  }
0x52: {  	v21 =	vld.idx.msk [tilespmem:v11+s20+$0x15800], $0xffff  }
0x53: {  	v22 =	vld.idx.msk [tilespmem:v9+s20+$0x15800], $0xffff;
	_ =	sdelay $0x3  }
0x54: {  	v23 =	vadd.f32 $4.000000000e+01, v20  }
0x55: {  	v24 =	vadd.f32 $3.000000000e+00, v21;
	v25 =	vmul.f32 v22, v12  }
0x56: {  	v23 =	vmul.f32 v23, v12  }
0x57: {  	v24 =	vmul.f32 v24, v16;
	v28 =	vtrunc.f32 v25  }
0x58: {  	vm0 =	vge.f32 v25, $0.0e+00;
	v28 =	vcvt.f32.s32 v28;
	v26 =	vtrunc.f32 v23  }
0x59: {  	vm1 =	vge.f32 v23, $0.0e+00;
	v27 =	vtrunc.f32 v24;
	v26 =	vcvt.f32.s32 v26  }
0x5a: {  	vm0 =	vmand vm0, vm1;
	v27 =	vcvt.f32.s32 v27;
	vm1 =	vlt.f32 v25, $1.760000000e+02  }
0x5b: {  	vm0 =	vmand vm0, vm1;
	vm1 =	vlt.f32 v23, $2.000000000e+02;
	v25 =	vmul.u32 $0xB0, v26  }
0x5c: {  	v23 =	vmul.u32 $0x8980, v27;
	vm0 =	vmand vm1, vm0;
	vm1 =	vge.f32 v24, $0.0e+00  }
0x5d: {  	vm0 =	vmand vm1, vm0;
	vm1 =	vlt.f32 v24, $5.000000000e+00;
	v25 =	vadd.s32 v28, v25  }
0x5e: {  	vm0 =	vmand vm1, vm0;
	v23 =	vadd.s32 v23, v25  }
0x5f: {  	v23 =	vnsel vm0, $0x2AF80, v23  }
0x60: {  	[tilespmem:v4+s11+$0x0] =	vst.idx.msk $0xffff, v23  }
0x61: {  	[tilespmem:v9+s20+$0x19800] =	vst.idx.msk $0xffff, v22  }
0x62: {  	[tilespmem:v10+s20+$0x19800] =	vst.idx.msk $0xffff, v20  }
0x63: {  	[tilespmem:v11+s20+$0x19800] =	vst.idx.msk $0xffff, v21  }
0x64: {  	v20 =	vld.idx.msk [tilespmem:v14+s20+$0x15800], $0xffff  }
0x65: {  	v21 =	vld.idx.msk [tilespmem:v15+s20+$0x15800], $0xffff  }
0x66: {  	v22 =	vld.idx.msk [tilespmem:v13+s20+$0x15800], $0xffff;
	_ =	sdelay $0x3  }
0x67: {  	v23 =	vadd.f32 $4.000000000e+01, v20  }
0x68: {  	v24 =	vadd.f32 $3.000000000e+00, v21;
	v25 =	vmul.f32 v22, v12  }
0x69: {  	v23 =	vmul.f32 v23, v12  }
0x6a: {  	v24 =	vmul.f32 v24, v16;
	vm0 =	vge.f32 v25, $0.0e+00  }
0x6b: {  	vm2 =	vlt.f32 v25, $1.760000000e+02;
	v25 =	vtrunc.f32 v25;
	v26 =	vtrunc.f32 v23  }
0x6c: {  	vm1 =	vge.f32 v23, $0.0e+00;
	v27 =	vtrunc.f32 v24;
	v26 =	vcvt.f32.s32 v26  }
0x6d: {  	vm0 =	vmand vm0, vm1;
	v27 =	vcvt.f32.s32 v27;
	vm1 =	vlt.f32 v23, $2.000000000e+02  }
0x6e: {  	v23 =	vcvt.f32.s32 v25;
	vm0 =	vmand vm0, vm2;
	v25 =	vmul.u32 $0xB0, v26  }
0x6f: {  	vm0 =	vmand vm1, vm0;
	vm1 =	vge.f32 v24, $0.0e+00;
	v26 =	vmul.u32 $0x8980, v27  }
0x70: {  	vm0 =	vmand vm1, vm0;
	vm1 =	vlt.f32 v24, $5.000000000e+00;
	v23 =	vadd.s32 v23, v25  }
0x71: {  	vm0 =	vmand vm1, vm0;
	v23 =	vadd.s32 v26, v23  }
0x72: {  	v23 =	vnsel vm0, $0x2AF80, v23  }
0x73: {  	[tilespmem:v5+s11+$0x0] =	vst.idx.msk $0xffff, v23  }
0x74: {  	[tilespmem:v13+s20+$0x19800] =	vst.idx.msk $0xffff, v22  }
0x75: {  	[tilespmem:v14+s20+$0x19800] =	vst.idx.msk $0xffff, v20  }
0x76: {  	[tilespmem:v15+s20+$0x19800] =	vst.idx.msk $0xffff, v21  }
0x77: {  	v21 =	vld.idx.msk [tilespmem:v18+s20+$0x15800], $0xffff  }
0x78: {  	v20 =	vld.idx.msk [tilespmem:v19+s20+$0x15800], $0xffff  }
0x79: {  	v22 =	vld.idx.msk [tilespmem:v17+s20+$0x15800], $0xffff;
	_ =	sdelay $0x2  }
0x7a: {  	v23 =	vadd.f32 $4.000000000e+01, v21  }
0x7b: {  	v26 =	vadd.f32 $3.000000000e+00, v20  }
0x7c: {  	v25 =	vmul.f32 v22, v12;
	v24 =	vmul.f32 v23, v12  }
0x7d: {  	v23 =	vmul.f32 v26, v16  }
0x7e: {  	vm0 =	vge.f32 v25, $0.0e+00;
	v26 =	vtrunc.f32 v24;
	vm1 =	vge.f32 v24, $0.0e+00  }
0x7f: {  	s21 =	simm.s32 $0x800;
	v27 =	vtrunc.f32 v23;
	v26 =	vcvt.f32.s32 v26;
	vm0 =	vmand vm0, vm1  }
.LBB2_10:
0x80: {  	p1 =	sne.s32 s21, $0xF800;
	v28 =	vtrunc.f32 v25;
	s22 =	smov.u32 s21;
	s21 =	sadd.s32 $0x800, s21  }
0x81: {  	v27 =	vcvt.f32.s32 v27;
	vm1 =	vlt.f32 v25, $1.760000000e+02;
	v25 =	vmul.u32 $0xB0, v26  }
0x82: {  	v26 =	vcvt.f32.s32 v28;
	vm0 =	vmand vm0, vm1;
	vm1 =	vlt.f32 v24, $2.000000000e+02  }
0x83: {  	vm0 =	vmand vm1, vm0;
	vm1 =	vge.f32 v23, $0.0e+00;
	v24 =	vmul.u32 $0x8980, v27  }
0x84: {  	s22 =	sshra.s32 s22, $0x2;
	vm0 =	vmand vm1, vm0;
	vm1 =	vlt.f32 v23, $5.000000000e+00;
	v23 =	vadd.s32 v26, v25  }
0x85: {  	vm0 =	vmand vm1, vm0;
	v23 =	vadd.s32 v24, v23  }
0x86: {  	v23 =	vnsel vm0, $0x2AF80, v23  }
0x87: {  	[tilespmem:v6+s11+$0x0] =	vst.idx.msk $0xffff, v23  }
0x88: {  	[tilespmem:v17+s20+$0x19800] =	vst.idx.msk $0xffff, v22  }
0x89: {  	[tilespmem:v18+s20+$0x19800] =	vst.idx.msk $0xffff, v21  }
0x8a: {  	s23 =	sadd.s32 $0x19800, s20;
	[tilespmem:v19+s20+$0x19800] =	vst.idx.msk $0xffff, v20;
	s20 =	smov.u32 s22  }
0x8b: {  	[spmem:s2] =	stream.indirect.scatter.add.f32 [tilespmem:s23], [sflag:$0x1], $0x8, s11, s12, $0xb8;
	[tilespmem:$0x1DA40] =	vst v63  }
0x8c: {  	_ =	swait.ge [sflag:s13], $0x200  }
0x8d: {  	[sflag:s13] =	ssyncset.done $0x0  }
0x8e: {  	[sflag:s13] =	ssyncadd.s32 $0xFFFFFE00  }
0x8f: {  	v20 =	vld.idx.msk [tilespmem:v8+s20+$0x15800], $0xffff  }
0x90: {  	v21 =	vld.idx.msk [tilespmem:v7+s20+$0x15800], $0xffff;
	_ =	sdelay $0x1  }
0x91: {  	v22 =	vld.idx.msk [tilespmem:v2+s20+$0x15800], $0xffff;
	_ =	sdelay $0x2  }
0x92: {  	v23 =	vadd.f32 $3.000000000e+00, v20  }
0x93: {  	v24 =	vadd.f32 $4.000000000e+01, v21  }
0x94: {  	v23 =	vmul.f32 v23, v16  }
0x95: {  	v25 =	vmul.f32 v22, v12;
	v24 =	vmul.f32 v24, v12  }
0x96: {  	v26 =	vtrunc.f32 v23  }
0x97: {  	v27 =	vtrunc.f32 v24;
	v26 =	vcvt.f32.s32 v26;
	vm0 =	vge.f32 v24, $0.0e+00  }
0x98: {  	vm1 =	vge.f32 v25, $0.0e+00;
	vm2 =	vlt.f32 v25, $1.760000000e+02;
	v27 =	vcvt.f32.s32 v27  }
0x99: {  	v25 =	vtrunc.f32 v25;
	vm0 =	vmand vm1, vm0;
	vm1 =	vlt.f32 v24, $2.000000000e+02  }
0x9a: {  	v24 =	vcvt.f32.s32 v25;
	vm0 =	vmand vm0, vm2;
	v25 =	vmul.u32 $0xB0, v27  }
0x9b: {  	v26 =	vmul.u32 $0x8980, v26;
	vm0 =	vmand vm1, vm0;
	vm1 =	vge.f32 v23, $0.0e+00  }
0x9c: {  	vm0 =	vmand vm1, vm0;
	vm1 =	vlt.f32 v23, $5.000000000e+00;
	v23 =	vadd.s32 v24, v25  }
0x9d: {  	vm0 =	vmand vm1, vm0;
	v23 =	vadd.s32 v26, v23  }
0x9e: {  	v23 =	vnsel vm0, $0x2AF80, v23  }
0x9f: {  	[tilespmem:v0+s11+$0x0] =	vst.idx.msk $0xffff, v23  }
0xa0: {  	[tilespmem:v2+s20+$0x19800] =	vst.idx.msk $0xffff, v22  }
0xa1: {  	[tilespmem:v7+s20+$0x19800] =	vst.idx.msk $0xffff, v21  }
0xa2: {  	[tilespmem:v8+s20+$0x19800] =	vst.idx.msk $0xffff, v20  }
0xa3: {  	v20 =	vld.idx.msk [tilespmem:v10+s20+$0x15800], $0xffff  }
0xa4: {  	v21 =	vld.idx.msk [tilespmem:v11+s20+$0x15800], $0xffff  }
0xa5: {  	v22 =	vld.idx.msk [tilespmem:v9+s20+$0x15800], $0xffff;
	_ =	sdelay $0x3  }
0xa6: {  	v23 =	vadd.f32 $4.000000000e+01, v20  }
0xa7: {  	v24 =	vadd.f32 $3.000000000e+00, v21  }
0xa8: {  	v25 =	vmul.f32 v22, v12;
	v23 =	vmul.f32 v23, v12  }
0xa9: {  	v24 =	vmul.f32 v24, v16  }
0xaa: {  	v26 =	vtrunc.f32 v23;
	vm0 =	vge.f32 v25, $0.0e+00;
	vm1 =	vge.f32 v23, $0.0e+00  }
0xab: {  	v26 =	vcvt.f32.s32 v26;
	v27 =	vtrunc.f32 v24;
	vm0 =	vmand vm0, vm1  }
0xac: {  	v28 =	vtrunc.f32 v25;
	v27 =	vcvt.f32.s32 v27  }
0xad: {  	v28 =	vcvt.f32.s32 v28;
	vm1 =	vlt.f32 v25, $1.760000000e+02;
	v25 =	vmul.u32 $0xB0, v26  }
0xae: {  	vm0 =	vmand vm0, vm1;
	vm1 =	vlt.f32 v23, $2.000000000e+02;
	v23 =	vmul.u32 $0x8980, v27  }
0xaf: {  	vm0 =	vmand vm1, vm0;
	vm1 =	vge.f32 v24, $0.0e+00;
	v25 =	vadd.s32 v28, v25  }
0xb0: {  	vm0 =	vmand vm1, vm0;
	vm1 =	vlt.f32 v24, $5.000000000e+00;
	v23 =	vadd.s32 v23, v25  }
0xb1: {  	vm0 =	vmand vm1, vm0  }
0xb2: {  	v23 =	vnsel vm0, $0x2AF80, v23  }
0xb3: {  	[tilespmem:v4+s11+$0x0] =	vst.idx.msk $0xffff, v23  }
0xb4: {  	[tilespmem:v9+s20+$0x19800] =	vst.idx.msk $0xffff, v22  }
0xb5: {  	[tilespmem:v10+s20+$0x19800] =	vst.idx.msk $0xffff, v20  }
0xb6: {  	[tilespmem:v11+s20+$0x19800] =	vst.idx.msk $0xffff, v21  }
0xb7: {  	v20 =	vld.idx.msk [tilespmem:v14+s20+$0x15800], $0xffff  }
0xb8: {  	v21 =	vld.idx.msk [tilespmem:v13+s20+$0x15800], $0xffff  }
0xb9: {  	v22 =	vld.idx.msk [tilespmem:v15+s20+$0x15800], $0xffff;
	_ =	sdelay $0x3  }
0xba: {  	v23 =	vadd.f32 $4.000000000e+01, v20  }
0xbb: {  	v24 =	vmul.f32 v21, v12  }
0xbc: {  	v23 =	vmul.f32 v23, v12;
	v25 =	vadd.f32 $3.000000000e+00, v22  }
0xbd: {  	v26 =	vtrunc.f32 v24;
	vm0 =	vge.f32 v24, $0.0e+00  }
0xbe: {  	v25 =	vmul.f32 v25, v16;
	v27 =	vtrunc.f32 v23;
	vm1 =	vge.f32 v23, $0.0e+00  }
0xbf: {  	vm2 =	vlt.f32 v24, $1.760000000e+02;
	v27 =	vcvt.f32.s32 v27;
	vm0 =	vmand vm0, vm1  }
0xc0: {  	vm1 =	vlt.f32 v23, $2.000000000e+02;
	v24 =	vtrunc.f32 v25;
	vm0 =	vmand vm0, vm2  }
0xc1: {  	v23 =	vcvt.f32.s32 v24;
	vm0 =	vmand vm1, vm0;
	vm1 =	vge.f32 v25, $0.0e+00  }
0xc2: {  	v24 =	vcvt.f32.s32 v26;
	v26 =	vmul.u32 $0xB0, v27;
	vm0 =	vmand vm1, vm0  }
0xc3: {  	v23 =	vmul.u32 $0x8980, v23  }
0xc4: {  	vm1 =	vlt.f32 v25, $5.000000000e+00;
	v24 =	vadd.s32 v24, v26  }
0xc5: {  	vm0 =	vmand vm1, vm0;
	v23 =	vadd.s32 v23, v24  }
0xc6: {  	v23 =	vnsel vm0, $0x2AF80, v23  }
0xc7: {  	[tilespmem:v5+s11+$0x0] =	vst.idx.msk $0xffff, v23  }
0xc8: {  	[tilespmem:v13+s20+$0x19800] =	vst.idx.msk $0xffff, v21  }
0xc9: {  	[tilespmem:v14+s20+$0x19800] =	vst.idx.msk $0xffff, v20  }
0xca: {  	[tilespmem:v15+s20+$0x19800] =	vst.idx.msk $0xffff, v22  }
0xcb: {  	v21 =	vld.idx.msk [tilespmem:v18+s20+$0x15800], $0xffff  }
0xcc: {  	v20 =	vld.idx.msk [tilespmem:v19+s20+$0x15800], $0xffff  }
0xcd: {  	v22 =	vld.idx.msk [tilespmem:v17+s20+$0x15800], $0xffff;
	_ =	sdelay $0x3  }
0xce: {  	v23 =	vadd.f32 $4.000000000e+01, v21  }
.Ltmp3:
0xcf: {  	v26 =	vadd.f32 $3.000000000e+00, v20;
	(pc) =	sbr.rel @p1 .LBB2_10-.Ltmp3, $4  }
0xd0: {  	v25 =	vmul.f32 v22, v12;
	v24 =	vmul.f32 v23, v12  }
0xd1: {  	v23 =	vmul.f32 v26, v16  }
0xd2: {  	v26 =	vtrunc.f32 v24;
	vm0 =	vge.f32 v25, $0.0e+00;
	vm1 =	vge.f32 v24, $0.0e+00  }
0xd3: {  	v26 =	vcvt.f32.s32 v26;
	v27 =	vtrunc.f32 v23;
	vm0 =	vmand vm0, vm1  }
0xd4: {  	v28 =	vtrunc.f32 v25  }
0xd5: {  	v27 =	vcvt.f32.s32 v27;
	vm1 =	vlt.f32 v25, $1.760000000e+02;
	vm13 =	vlt.f32 v24, $2.000000000e+02  }
0xd6: {  	v60 =	vmul.u32 $0xB0, v26;
	v61 =	vcvt.f32.s32 v28;
	vm0 =	vmand vm0, vm1  }
0xd7: {  	vm14 =	vge.f32 v23, $0.0e+00;
	vm0 =	vmand vm13, vm0;
	v62 =	vmul.u32 $0x8980, v27  }
0xd8: {  	vm15 =	vlt.f32 v23, $5.000000000e+00;
	vm0 =	vmand vm14, vm0;
	v63 =	vadd.s32 v61, v60  }
0xd9: {  	vm0 =	vmand vm15, vm0;
	v23 =	vadd.s32 v62, v63  }
0xda: {  	v23 =	vnsel vm0, $0x2AF80, v23  }
0xdb: {  	[tilespmem:v6+s11+$0x0] =	vst.idx.msk $0xffff, v23  }
0xdc: {  	s19 =	sadd.s32 $0x1, s19;
	[tilespmem:v17+s20+$0x19800] =	vst.idx.msk $0xffff, v22  }
0xdd: {  	p1 =	sne.s32 s19, $0x4;
	[tilespmem:v18+s20+$0x19800] =	vst.idx.msk $0xffff, v21  }
.Ltmp4:
0xde: {  	s21 =	sadd.s32 $0x19800, s20;
	[tilespmem:v19+s20+$0x19800] =	vst.idx.msk $0xffff, v20;
	(pc) =	sbr.rel @p1 .LBB2_9-.Ltmp4, $4  }
0xdf: {  	[spmem:s2] =	stream.indirect.scatter.add.f32 [tilespmem:s21], [sflag:$0x1], $0x8, s11, s12, $0xb8;
	[tilespmem:$0x1DA40] =	vst v63  }
0xe0: {  	_ =	swait.ge [sflag:s13], $0x200  }
0xe1: {  	[sflag:s13] =	ssyncset.done $0x0  }
0xe2: {  	[sflag:s13] =	ssyncadd.s32 $0xFFFFFE00  }
0xe3: {  	s16 =	smul.u32 $0x2B000, s16  }
0xe4: {  	[bflag:$0x0] =	sbarrier.arrive $0xFFFF  }
0xe5: {  	s17 =	simm.s32 $0x0;
	s18 =	simm.s32 $0x0;
	s16 =	sadd.s32 s5, s16  }
.LBB2_13:
0xe6: {  	s19 =	smin.u32 s17, $0x2300  }
0xe7: {  	s19 =	sadd.s32 s19, s5  }
0xe8: {  	s20 =	sadd.s32 $0x0, s19  }
0xe9: {  	v20 =	vor.u32 s20, v0;
	s21 =	sadd.s32 $0x10, s20  }
0xea: {  	s29 =	sadd.s32 $0x20, s20;
	[tilespmem:v0+s11+$0x0] =	vst.idx.msk $0xffff, v20;
	v20 =	vor.u32 s21, v0  }
0xeb: {  	s20 =	sadd.s32 $0x30, s20;
	[tilespmem:v4+s11+$0x0] =	vst.idx.msk $0xffff, v20;
	v20 =	vor.u32 s29, v0  }
0xec: {  	[tilespmem:v5+s11+$0x0] =	vst.idx.msk $0xffff, v20;
	v20 =	vor.u32 s20, v0  }
0xed: {  	s30 =	sshll.u32 s18, $0xB;
	s31 =	simm.s32 $0x19800;
	[tilespmem:v6+s11+$0x0] =	vst.idx.msk $0xffff, v20  }
0xee: {  	[tilespmem:s31], [sflag:$0x1] =	stream.indirect.gather [spmem:s2], $0x8, s11, s12, $0xb8;
	[tilespmem:$0x1DA40] =	vst v63  }
0xef: {  	s23 =	simm.s32 $0x80;
	s22 =	sadd.s32 $0x40, s19;
	_ =	swait.ge [sflag:s13], $0x200  }
0xf0: {  	s21 =	simm.s32 $0x19A00;
	s20 =	smin.u32 s30, $0x2300;
	[sflag:s13] =	ssyncset.done $0x0  }
.LBB2_14:
0xf1: {  	s24 =	sadd.s32 $0x10, s22  }
0xf2: {  	v20 =	vor.u32 s22, v0;
	[sflag:s13] =	ssyncadd.s32 $0xFFFFFE00;
	s25 =	smov.u32 s23;
	s26 =	sadd.s32 $0x40, s23  }
0xf3: {  	p1 =	sne.s32 s23, $0x7C0;
	s23 =	sadd.s32 $0x20, s22;
	[tilespmem:v0+s11+$0x0] =	vst.idx.msk $0xffff, v20;
	v20 =	vor.u32 s24, v0  }
0xf4: {  	s22 =	sadd.s32 $0x30, s22;
	[tilespmem:v4+s11+$0x0] =	vst.idx.msk $0xffff, v20;
	v20 =	vor.u32 s23, v0  }
.Ltmp5:
0xf5: {  	[tilespmem:v5+s11+$0x0] =	vst.idx.msk $0xffff, v20;
	v20 =	vor.u32 s22, v0;
	(pc) =	sbr.rel @p1 .LBB2_14-.Ltmp5, $4  }
0xf6: {  	[tilespmem:v6+s11+$0x0] =	vst.idx.msk $0xffff, v20  }
0xf7: {  	[tilespmem:s21], [sflag:$0x1] =	stream.indirect.gather [spmem:s2], $0x8, s11, s12, $0xb8;
	[tilespmem:$0x1DA40] =	vst v63  }
0xf8: {  	s23 =	smov.u32 s26;
	_ =	swait.ge [sflag:s13], $0x200  }
0xf9: {  	s22 =	sadd.s32 s25, s19;
	s21 =	sadd.s32 $0x200, s21;
	[sflag:s13] =	ssyncset.done $0x0  }
0xfa: {  	_ =	sdelay $0x2  }
0xfb: {  	v20 =	vor.u32 s22, v0;
	s19 =	sadd.s32 $0x10, s22;
	[sflag:s13] =	ssyncadd.s32 $0xFFFFFE00  }
0xfc: {  	s29 =	sadd.s32 $0x20, s22;
	[tilespmem:v0+s11+$0x0] =	vst.idx.msk $0xffff, v20;
	v20 =	vor.u32 s19, v0  }
0xfd: {  	s30 =	sadd.s32 $0x30, s22;
	[tilespmem:v4+s11+$0x0] =	vst.idx.msk $0xffff, v20;
	v20 =	vor.u32 s29, v0  }
0xfe: {  	[tilespmem:v5+s11+$0x0] =	vst.idx.msk $0xffff, v20;
	v20 =	vor.u32 s30, v0  }
0xff: {  	[tilespmem:v6+s11+$0x0] =	vst.idx.msk $0xffff, v20  }
0x100: {  	[tilespmem:s21], [sflag:$0x1] =	stream.indirect.gather [spmem:s2], $0x8, s11, s12, $0xb8;
	[tilespmem:$0x1DA40] =	vst v63  }
0x101: {  	s31 =	sadd.s32 s20, s16;
	s18 =	sadd.s32 $0x1, s18;
	_ =	swait.ge [sflag:s13], $0x200  }
0x102: {  	s19 =	sand.u32 $0x1FFFFF00, s31;
	p1 =	sne.s32 s18, $0x6;
	[sflag:s13] =	ssyncset.done $0x0  }
.Ltmp6:
0x103: {  	s19 =	sadd.s32 s1, s19;
	[sflag:s13] =	ssyncadd.s32 $0xFFFFFE00;
	(pc) =	sbr.rel @p1 .LBB2_13-.Ltmp6, $4  }
0x104: {  	[hbm4b:s19+s3] =	stream.linear.scatter [tilespmem:s10], [sflag:$0x1], $0x4000, $0x38;
	[tilespmem:$0x1DA40] =	vst v63  }
0x105: {  	_ =	swait.ge [sflag:s13], $0x4000  }
0x106: {  	[sflag:s13] =	ssyncset.done $0x0  }
0x107: {  	s17 =	sadd.s32 $0x800, s17;
	[sflag:s13] =	ssyncadd.s32 $0xFFFFC000  }
.Ltmp7:
0x108: {  	(pc) =	sbr.rel @p0 .LBB2_4-.Ltmp7, $3  }
0x109: {  	_ =	sdelay $0x1  }
0x10a: {  	[bflag:$0x0] =	sbarrier.arrive $0xFFFF  }
0x10b: {  	s16 =	simm.s32 $0x1;
	p1 =	por $0x0, $0x0  }
0x10c: {  	s15 =	sadd.s32 $0x1, s15  }
0x10d: {  	p0 =	sne.s32 s15, s8  }
.Ltmp8:
0x10e: {  	_ = 	snop;
	(pc) =	sbr.rel @p0 .LBB2_1-.Ltmp8, $1  }
0x10f: {  	_ =	sdelay $0x3  }
0x110: {  	_ =	sfence.sel $0x180000  }
0x111: {  	[bflag:$0x0] =	sbarrier.arrive $0xFFFF  }
0x112: {  	p0 =	sne.s32 s4, $0x0;
	_ =	strace $0x90000047  }
0x113: {  	s0 =	sadd.s32 @!p0 $0x100000, s0;
	[bflag:$0x2] =	sbarrier.arrive $0xFFFF  }
0x114: {  	[sflag:s0] =	ssyncadd.tile.s32 @!p0 $0x1;
	_ =	shalt  }
.Lfunc_end2:
_tile_overlayer_lowered:
.L_overlay_start_2:
0x115: {  	(tag) =	ssettag $0x2  }
0x116: {  	s0 =	rddreg [dreg:$0x0];
	s2 =	stileid.u32  }
0x117: {  	s1 =	rddreg [dreg:$0x1];
	p0 =	sne.s32 s2, $0x0  }
0x118: {  	s3 =	rddreg [dreg:$0x2];
	[bflag:$0x3] =	sbarrier.arrive $0xFFFF;
	s2 =	simm.s32 @!p0 $0x1C01  }
0x119: {  	[timem:s3], [sflag:s2] =	dma.local @!p0 [hbm:s0], s1  }
0x11a: {  	s0 =	simm.s32 @!p0 $0x1  }
0x11b: {  	_ =	swait.ge @!p0 [sflag:s0], s1  }
0x11c: {  	s1 =	ssub.s32 @!p0 $0x0, s1;
	[sflag:s0] =	ssyncset.done @!p0 $0x0  }
0x11d: {  	[sflag:s0] =	ssyncadd.s32 @!p0 s1  }
0x11e: {  	[bflag:$0x3] =	sbarrier.arrive $0xFFFF  }
0x11f: {  	_ =	shalt  }

// kernel: sparse-core-data-format-call.cloned.1.call-start
scs
called_computation_lowered:
.L_overlay_start_0:
0x0: {  	s2 =	sld [smem:$0x3FD9]  }
0x1: {  	s3 =	sld [smem:$0x3FFE];
	_ =	sdelay $0x1  }
0x2: {  	s1 =	srdreg.scid  }
0x3: {  	s0 =	sand.u32 $0x1, s1  }
0x4: {  	s18 =	sshll.u32 s0, $0xA;
	s2 =	sadd.s32 s3, s2  }
0x5: {  	s2 =	sadd.s32 s2, s18  }
0x6: {  	[smem:$0x3FC6] =	sst s2  }
0x7: {  	_ = 	snop  }
0x8: {  	s2 =	sld [smem:$0x3FD0];
	(tm) =	ssettm $0x1  }
0x9: {  	s19 =	sld [smem:$0x3FFB];
	_ =	sdelay $0x3  }
0xa: {  	_ =	strace s19  }
0xb: {  	s3 =	sld [smem:$0x3FFC];
	_ =	sdelay $0x3  }
0xc: {  	_ =	strace s3  }
0xd: {  	s3 =	sld [smem:$0x3FFD];
	_ =	sdelay $0x3  }
0xe: {  	_ =	strace s3  }
0xf: {  	_ =	strace $0x8FFFFFFF  }
0x10: {  	s20 =	sld [smem:$0x3FDB];
	_ =	sdelay $0x1  }
0x11: {  	s4 =	simm.s32 $_scs_section_size  }
0x12: {  	s5 =	simm.s32 $_size__tile_overlayer_lowered;
	s6 =	simm.s32 $_tile_overlayer_lowered  }
0x13: {  	s23 =	simm.s32 $0x1BFF;
	s22 =	sshll.u32 s6, $0x1;
	s3 =	sadd.s32 s4, s20  }
0x14: {  	s7 =	simm.s32 $0x0;
	s21 =	sshll.u32 s5, $0x1;
	s5 =	sadd.s32 s22, s3  }
0x15: {  	[timem:s7], [sflag:s23] =	dma.local [hbm:s5], s21  }
0x16: {  	_ =	swait.ge [sflag:s23], s21  }
0x17: {  	s4 =	ssub.s32 $0x0, s21;
	[sflag:s23] =	ssyncset.done $0x0  }
0x18: {  	[sflag:s23] =	ssyncadd.s32 s4;
	_ =	sdelay $0x1  }
0x19: {  	s24 =	simm.s32 $0x1B8B  }
0x1a: {  	_ =	swait.ge [sflag:s24], $0x1  }
0x1b: {  	[sflag:s24] =	ssyncset.done $0x0  }
0x1c: {  	s26 =	simm.s32 $0x1B8E;
	s25 =	sld [smem:$0x3FFE];
	[sflag:s24] =	ssyncadd.s32 $0xFFFFFFFF  }
0x1d: {  	s27 =	simm.s32 $execute0_lowered;
	[smem:$0x3FD2] =	sst s26  }
0x1e: {  	s5 =	sshll.u32 s27, $0x1;
	_ =	strace $0x80000049;
	[dreg:$0x1] =	wrdreg $0xFFFFFFFF  }
0x1f: {  	s28 =	simm.s32 $_size_execute0_lowered;
	s3 =	sadd.s32 s3, s5;
	[dreg:$0x0] =	wrdreg $0x0  }
0x20: {  	s5 =	sshll.u32 s28, $0x1;
	[dreg:$0x2] =	wrdreg s3  }
0x21: {  	[dreg:$0x3] =	wrdreg s5  }
0x22: {  	[dreg:$0x4] =	wrdreg $0xC0  }
0x23: {  	_ =	task [dreg:s7], $0x5FFFF  }
0x24: {  	[dreg:$0x1] =	wrdreg $0xFFFFFFFF  }
0x25: {  	[dreg:$0x0] =	wrdreg $0x60  }
0x26: {  	[dreg:$0x2] =	wrdreg s25  }
0x27: {  	[dreg:$0x3] =	wrdreg s2  }
0x28: {  	[dreg:$0x4] =	wrdreg $0x9  }
0x29: {  	_ =	task.clear_ibuf [dreg:s7], $0x5FFFF;
	_ =	strace $0x90000049  }
0x2a: {  	s29 =	simm.s32 $0x9;
	_ =	strace $0x8000004B  }
0x2b: {  	_ =	swait.ge [sflag:s29], $0x1  }
0x2c: {  	[sflag:s29] =	ssyncadd.s32 $0xFFFFFFFF  }
0x2d: {  	_ =	strace $0x9000004B  }
0x2e: {  	_ =	sfence  }
0x2f: {  	s30 =	sld [smem:$0x0];
	_ =	sdelay $0x2  }
0x30: {  	s31 =	sshll.u32 s1, $0xD;
	s1 =	sshrl.u32 s1, $0x2  }
0x31: {  	s3 =	sand.u32 $0x4000, s31;
	s1 =	sadd.s32 s1, s30  }
0x32: {  	s0 =	sor.u32 s3, s0;
	s1 =	sshll.u32 s1, $0x11  }
0x33: {  	s0 =	sor.u32 s1, s0  }
0x34: {  	s0 =	sadd.s32 $0x8F2B, s0  }
0x35: {  	[sflag:s0] =	ssyncadd.remote.s32 $0x1  }
0x36: {  	_ =	sfence.sel $0xFFFF  }
0x37: {  	[dreg:$0x0] =	wrdreg $0xFFFFFFFF;
	(pc) =	sbr.abs _section_cstart, $3  }
0x38: {  	[dreg:$0x1] =	wrdreg $0xFFFFFFFF  }
0x39: {  	_ =	task.clear_ibuf [dreg:s7], $0x2FFFF;
	_ =	strace $0x9FFFFFFF  }
0x3a: {  	(tm) =	ssettm $0x7FFFFFFF  }
0x3b: {  	_ =	shalt  }
tec
execute0_lowered:
.L_overlay_start_1:
0x0: {  	(tag) =	ssettag $0x1  }
0x1: {  	s0 =	srdreg.scid  }
0x2: {  	s1 =	sshll.u32 s0, $0x4  }
0x3: {  	s4 =	rddreg [dreg:$0x0];
	s0 =	stileid.u32;
	s1 =	sand.u32 $0x10, s1  }
0x4: {  	s2 =	rddreg [dreg:$0x1];
	s7 =	simm.s32 $0x1;
	s1 =	sor.u32 s0, s1  }
0x5: {  	s8 =	simm.s32 $0x2;
	s11 =	simm.s32 $0x0;
	s3 =	sshll.u32 s1, $0x7  }
0x6: {  	s10 =	simm.s32 $0x0;
	s4 =	sadd.s32 $0x159200, s4;
	s6 =	ssub.s32 $0xABE00, s3  }
.Ltmp0:
0x7: {  	s1 =	rddreg [dreg:$0x2];
	s5 =	sand.u32 $0xF80, s6;
	(pc) =	sbr.rel .LBB1_1-.Ltmp0, $4  }
0x8: {  	_ =	strace $0x8000004A;
	s9 =	smov.u32 s3;
	p0 =	sne.s32 s5, $0x0  }
0x9: {  	s6 =	sshrl.u32 s6, $0xC;
	s5 =	simm.s32 $0x1;
	s7 =	simm.s32 @!p0 $0x0  }
0xa: {  	[sflag:s5] =	ssyncpa.u1 $0x0;
	p0 =	por $0x0, $0x0;
	s6 =	sadd.s32 s7, s6  }
0xb: {  	[sflag:s8] =	ssyncpa.u1 $0x0;
	s8 =	simm.s32 $0x55F000;
	s7 =	sadd.s32 $0x1, s6  }
.LBB1_4:
0xc: {  	s14 =	sshll.u32 s11, $0x3  }
0xd: {  	s30 =	sand.u32 $0x7F, s11;
	s14 =	sand.u32 $0xFFFFFC00, s14  }
0xe: {  	s11 =	sor.u32 s30, s14  }
0xf: {  	s15 =	smulhi.u32 $0xBEA67251, s11;
	_ =	sdelay $0x1  }
0x10: {  	s14 =	smulhi.u32 $0xBEA67251, s14;
	s15 =	sshrl.u32 s15, $0x13  }
0x11: {  	s15 =	smul.u32 $0xABE00, s15  }
0x12: {  	[tilespmem:s12+$0xFFFFFFFC ss:$0x81] =	vst.msk $0xffff, v2;
	s14 =	sshrl.u32 s14, $0x13  }
0x13: {  	[tilespmem:s12+$0xFFFFFFFD ss:$0x81] =	vst.msk $0xffff, v3;
	s14 =	sand.u32 $0xF, s14;
	s11 =	ssub.s32 s11, s15  }
0x14: {  	[tilespmem:s12+$0xFFFFFFFE ss:$0x81] =	vst.msk $0xffff, v0;
	s14 =	smul.u32 $0x157C0, s14;
	s15 =	sshrl.u32 s11, $0x3;
	s11 =	sand.u32 $0x7, s11  }
0x15: {  	[tilespmem:s12+$0xFFFFFFFF ss:$0x81] =	vst.msk $0xffff, v4;
	s15 =	sadd.s32 s2, s15;
	s11 =	sshll.u32 s11, $0x12  }
0x16: {  	[tilespmem:s12+$0xFFFFFFF9 ss:$0x81] =	vst.msk $0xffff, v1;
	s31 =	sadd.s32 s14, s15;
	s11 =	sor.u32 $0x400, s11  }
0x17: {  	[hbm4b:s31+s11] =	stream.strided.scatter [tilespmem:s13], [sflag:$0x2], $0x800, s8, s11, $0x20;
	[tilespmem:$0x2020] =	vst v63  }
.LBB1_5:
0x18: {  	s13 =	sadd.s32 $0x1000, s9  }
0x19: {  	p2 =	sgt.s32 s13, $0xABDFF  }
0x1a: {  	s13 =	smov.u32 @p2 s3;
	p2 =	sne.s32 s10, s7  }
.Ltmp1:
0x1b: {  	p1 =	slt.u32 s10, $0x2;
	(pc) =	sbr.rel @!p2 .LBB1_6-.Ltmp1, $4  }
0x1c: {  	s12 =	simm.s32 @!p1 $0x2  }
0x1d: {  	s14 =	sadd.s32 $0x1, s10;
	_ =	swait.ge @!p1 [sflag:s12], $0x800  }
0x1e: {  	s11 =	smov.u32 s9;
	p0 =	por !p0, !p0;
	[sflag:s12] =	ssyncset.done @!p1 $0x0  }
0x1f: {  	s10 =	smov.u32 s14;
	s9 =	smov.u32 s13;
	[sflag:s12] =	ssyncadd.s32 @!p1 $0xFFFFF800  }
.LBB1_1:
0x20: {  	p1 =	sge.u32 s10, s6  }
0x21: {  	s12 =	sand.u32 @!p1 $0x1FFFFFF, s9  }
0x22: {  	s13 =	smulhi.u32 @!p1 $0x17D4CE5, s12;
	_ =	sdelay $0x1  }
0x23: {  	s13 =	sshrl.u32 @!p1 s13, $0xC  }
0x24: {  	s13 =	smul.u32 @!p1 $0xABE00, s13;
	_ =	sdelay $0x1  }
0x25: {  	s31 =	sadd.s32 $0xFFFFFFFF, s10;
	s14 =	sxor.u32 @!p1 $0xFFFFFFFF, s10;
	s12 =	ssub.s32 @!p1 s12, s13  }
0x26: {  	s15 =	simm.s32 @!p1 $0x80;
	s14 =	sshll.u32 @!p1 s14, $0xB;
	s12 =	sshll.u32 @!p1 s12, $0x4  }
0x27: {  	s13 =	sand.u32 @!p1 $0x800, s14;
	s14 =	simm.s32 @!p1 $0x10;
	s12 =	sadd.s32 @!p1 s4, s12  }
0x28: {  	[tilespmem:s13], [sflag:$0x1] =	stream.strided.gather @!p1 [hbm4b:s12+s14], $0x800, s15, s14, $0x38;
	[tilespmem:$0x2020] =	vst v63  }
0x29: {  	p1 =	sge.u32 s31, s6  }
.Ltmp2:
0x2a: {  	_ = 	snop;
	(pc) =	sbr.rel @p1 .LBB1_5-.Ltmp2, $1  }
0x2b: {  	_ =	sdelay $0x3  }
0x2c: {  	s12 =	simm.s32 $0x1  }
0x2d: {  	_ =	swait.ge [sflag:s5], $0x800;
	s12 =	simm.s32 @!p0 $0x0  }
0x2e: {  	[sflag:s5] =	ssyncset.done $0x0;
	s13 =	sshll.u32 s12, $0xB  }
0x2f: {  	[sflag:s5] =	ssyncadd.s32 $0xFFFFF800;
	s15 =	sor.u32 $0x40, s13  }
0x30: {  	v1 =	vld [tilespmem:s15+$0x30]  }
0x31: {  	s12 =	smul.u32 $0x2040, s12;
	v4 =	vld [tilespmem:s15+$0xFFFFFFD0]  }
0x32: {  	v5 =	vld [tilespmem:s15+$0xFFFFFFE0]  }
0x33: {  	s31 =	sand.u32 $0x1, s10;
	s12 =	sshrl.u32 s12, $0x2;
	v2 =	vld [tilespmem:s15+$0xFFFFFFF0]  }
0x34: {  	s13 =	smul.u32 $0x2040, s31;
	v3 =	vld [tilespmem:s15+$0x0];
	s12 =	sor.u32 $0x1007, s12  }
0x35: {  	v0 =	vld [tilespmem:s15+$0x10];
	[tilespmem:s12+$0x0 ss:$0x81] =	vst.msk $0xffff, v1  }
0x36: {  	s13 =	sshrl.u32 s13, $0x2;
	[tilespmem:s12+$0xFFFFFFFA ss:$0x81] =	vst.msk $0xffff, v4;
	v4 =	vld [tilespmem:s15+$0x20]  }
0x37: {  	s14 =	simm.s32 $0x0;
	s13 =	sor.u32 $0x1000, s13;
	v1 =	vld [tilespmem:s15+$0xFFFFFFC0];
	[tilespmem:s12+$0xFFFFFFFB ss:$0x81] =	vst.msk $0xffff, v5;
	s15 =	sadd.s32 $0x80, s15  }
.LBB1_3:
0x38: {  	v5 =	vld [tilespmem:s15+$0x30];
	s14 =	sadd.s32 $0x8, s14;
	[tilespmem:s12+$0xFFFFFFFC ss:$0x81] =	vst.msk $0xffff, v2  }
0x39: {  	v6 =	vld [tilespmem:s15+$0xFFFFFFD0];
	p1 =	slt.u32 s14, $0x78;
	[tilespmem:s12+$0xFFFFFFFD ss:$0x81] =	vst.msk $0xffff, v3  }
0x3a: {  	v7 =	vld [tilespmem:s15+$0xFFFFFFE0];
	[tilespmem:s12+$0xFFFFFFFE ss:$0x81] =	vst.msk $0xffff, v0  }
.Ltmp3:
0x3b: {  	v2 =	vld [tilespmem:s15+$0xFFFFFFF0];
	[tilespmem:s12+$0xFFFFFFFF ss:$0x81] =	vst.msk $0xffff, v4;
	(pc) =	sbr.rel @p1 .LBB1_3-.Ltmp3, $4  }
0x3c: {  	v3 =	vld [tilespmem:s15+$0x0];
	[tilespmem:s12+$0xFFFFFFF9 ss:$0x81] =	vst.msk $0xffff, v1;
	s12 =	sadd.s32 $0x8, s12  }
0x3d: {  	v0 =	vld [tilespmem:s15+$0x10];
	[tilespmem:s12+$0x0 ss:$0x81] =	vst.msk $0xffff, v5  }
0x3e: {  	[tilespmem:s12+$0xFFFFFFFA ss:$0x81] =	vst.msk $0xffff, v6;
	v4 =	vld [tilespmem:s15+$0x20]  }
0x3f: {  	v1 =	vld [tilespmem:s15+$0xFFFFFFC0];
	[tilespmem:s12+$0xFFFFFFFB ss:$0x81] =	vst.msk $0xffff, v7;
	s15 =	sadd.s32 $0x80, s15  }
.Ltmp4:
0x40: {  	_ = 	snop;
	(pc) =	sbr.rel .LBB1_4-.Ltmp4, $1  }
0x41: {  	_ =	sdelay $0x3  }
.LBB1_6:
0x42: {  	_ =	sfence.sel $0x180000  }
0x43: {  	s2 =	simm.s32 $0x1;
	[bflag:$0x0] =	sbarrier.arrive $0xFFFF  }
0x44: {  	s31 =	simm.s32 $0x2;
	[sflag:s2] =	ssyncpa.u1 $0x1  }
0x45: {  	[sflag:s31] =	ssyncpa.u1 $0x1  }
0x46: {  	p0 =	sne.s32 s0, $0x0;
	_ =	strace $0x9000004A  }
0x47: {  	s0 =	sadd.s32 @!p0 $0x100000, s1;
	[bflag:$0x2] =	sbarrier.arrive $0xFFFF  }
0x48: {  	[sflag:s0] =	ssyncadd.tile.s32 @!p0 $0x1;
	_ =	shalt  }
.Lfunc_end1:
_tile_overlayer_lowered:
.L_overlay_start_2:
0x49: {  	(tag) =	ssettag $0x2  }
0x4a: {  	s0 =	rddreg [dreg:$0x0];
	s2 =	stileid.u32  }
0x4b: {  	s1 =	rddreg [dreg:$0x1];
	p0 =	sne.s32 s2, $0x0  }
0x4c: {  	s3 =	rddreg [dreg:$0x2];
	[bflag:$0x3] =	sbarrier.arrive $0xFFFF;
	s2 =	simm.s32 @!p0 $0x1C01  }
0x4d: {  	[timem:s3], [sflag:s2] =	dma.local @!p0 [hbm:s0], s1  }
0x4e: {  	s0 =	simm.s32 @!p0 $0x1  }
0x4f: {  	_ =	swait.ge @!p0 [sflag:s0], s1  }
0x50: {  	s1 =	ssub.s32 @!p0 $0x0, s1;
	[sflag:s0] =	ssyncset.done @!p0 $0x0  }
0x51: {  	[sflag:s0] =	ssyncadd.s32 @!p0 s1  }
0x52: {  	[bflag:$0x3] =	sbarrier.arrive $0xFFFF  }
0x53: {  	_ =	shalt  }

</sc_bundles>
